<compile_context>
chip_gen: v7x
topology: tpu7x:2x2x1
jax: 0.10.2.dev20260603
libtpu: 0.0.44.dev20260713+nightly
codegen_flags: <defaults>
</compile_context>

<pallas_src>
import jax
import jax.numpy as jnp
from jax import lax
from jax.experimental import pallas as pl
from jax.experimental.pallas import tpu as pltpu
from jax.experimental.pallas import tpu_sc as plsc

NUM_ROWS = 1_000_000
D = 64
NB = 16384
NJ = 26
B_TOTAL = NB * NJ
NW = 32
B_PER_W = B_TOTAL // NW
CHUNK = 128
N_CHUNKS = B_PER_W // CHUNK
NBUF = 8
N_GROUPS = N_CHUNKS // NBUF


def _emb_kernel(idx_hbm, table_hbm, out_hbm, idx_v, rows, gsems, ssems,
                idx_sem):
    wid = lax.axis_index("s") * 2 + lax.axis_index("c")
    base = wid * B_PER_W

    pltpu.async_copy(idx_hbm.at[pl.ds(base, B_PER_W)], idx_v, idx_sem).wait()

    def gather_refs(j, b):
        return (table_hbm.at[idx_v.at[pl.ds(j * CHUNK, CHUNK)]], rows.at[b],
                gsems.at[b])

    def store_refs(j, b):
        return (rows.at[b], out_hbm.at[pl.ds(base + j * CHUNK, CHUNK)],
                ssems.at[b])

    for b in range(NBUF):
        pltpu.async_copy(*gather_refs(b, b))

    def group(g, carry):
        for b in range(NBUF):
            j = g * NBUF + b
            pltpu.make_async_copy(*gather_refs(j, b)).wait()
            pltpu.async_copy(*store_refs(j, b))

            @pl.when(g < N_GROUPS - 1)
            def _():
                pltpu.make_async_copy(*store_refs(j, b)).wait()
                pltpu.async_copy(*gather_refs(j + NBUF, b))
        return carry

    lax.fori_loop(0, N_GROUPS, group, 0)

    for b in range(NBUF):
        j = (N_GROUPS - 1) * NBUF + b
        pltpu.make_async_copy(*store_refs(j, b)).wait()


@jax.jit
def kernel(Z, weight):
    idx = Z.astype(jnp.int32).reshape(B_TOTAL)
    mesh = plsc.VectorSubcoreMesh(core_axis_name="c", subcore_axis_name="s")
    out = pl.kernel(
        _emb_kernel,
        out_type=jax.ShapeDtypeStruct((B_TOTAL, D), jnp.float32),
        mesh=mesh,
        scratch_types=[
            pltpu.VMEM((B_PER_W,), jnp.int32),
            pltpu.VMEM((NBUF, CHUNK, D), jnp.float32),
            pltpu.SemaphoreType.DMA((NBUF,)),
            pltpu.SemaphoreType.DMA((NBUF,)),
            pltpu.SemaphoreType.DMA,
        ],
        compiler_params=pltpu.CompilerParams(
            use_tc_tiling_on_sc=False, needs_layout_passes=False),
    )(idx, weight)
    return out.reshape(NB, NJ, D)

# --- scband reference (transcript-rebuilt; emitter-appended) ---
"""Pipeline reference for scband-embedding-layer-13477607375769 (READ-ONLY COPY).

The authoritative reference and input builder live on the scoring server;
editing this copy changes nothing except your own understanding.
"""

import jax, jax.numpy as jnp
import numpy as np

NUM_EMBEDDINGS = 1000000
OUT_FEATURES = 64

def setup_inputs(seed: int = 0) -> dict:
    key = jax.random.key(seed)
    k1, k2 = jax.random.split(key)
    Z = jax.random.randint(k1, (16384, 26), 0, NUM_EMBEDDINGS, dtype=jnp.int64 if jax.config.jax_enable_x64 else jnp.int32)
    # embedding weight initialized uniform(-1.732, 1.732) like the torch module
    weight = jax.random.uniform(k2, (NUM_EMBEDDINGS, OUT_FEATURES), dtype=jnp.float32, minval=-1.732, maxval=1.732)
    return {"Z": Z, "weight": weight}

def reference(Z, weight):
    # nn.Embedding lookup: v_i = weight[Z]
    v_i = jnp.take(weight, Z, axis=0)
    return v_i

if __name__ == "__main__":
    import jax
    _d = setup_inputs()
    print(jax.jit(kernel)(*tuple(_d.values())))

</pallas_src>

<mosaic_0001>
#map = affine_map<(d0, d1) -> (0)>
#map1 = affine_map<(d0, d1) -> (0, 0)>
module attributes {stable_mosaic.version = 14 : i64} {
  func.func @_emb_kernel(%arg0: i32, %arg1: i32, %arg2: memref<425984xi32, #tpu.memory_space<hbm>>, %arg3: memref<1000000x64xf32, #tpu.memory_space<hbm>>, %arg4: memref<425984x64xf32, #tpu.memory_space<hbm>>, %arg5: memref<13312xi32, #tpu.memory_space<vmem>>, %arg6: memref<8x128x64xf32, #tpu.memory_space<vmem>>, %arg7: memref<8x!tpu.dma_semaphore, #tpu.memory_space<semaphore_mem>>, %arg8: memref<8x!tpu.dma_semaphore, #tpu.memory_space<semaphore_mem>>, %arg9: memref<!tpu.dma_semaphore, #tpu.memory_space<semaphore_mem>>) attributes {dimension_semantics = [#tpu.dimension_semantics<core_parallel>, #tpu.dimension_semantics<subcore_parallel>], iteration_bounds = array<i64: 2, 16>, scalar_prefetch = 0 : i64, scratch_operands = 5 : i64, tpu.core_type = #tpu.core_type<sc_vector_subcore>, window_params = [{transform_indices = #map}, {transform_indices = #map1}, {transform_indices = #map1}]} {
    %mul3A = arith.constant 2 : i32
    %mul3A_0 = arith.muli %arg1, %mul3A : i32
    %add3A = arith.addi %mul3A_0, %arg0 : i32
    %mul3A_1 = arith.constant 13312 : i32
    %mul3A_2 = arith.muli %add3A, %mul3A_1 : i32
    %dma_start3A = tpu.memref_slice %arg2[%mul3A_2] : memref<425984xi32, #tpu.memory_space<hbm>> -> memref<13312xi32, #tpu.memory_space<hbm>>
    %dma_start3A_3 = tpu.memref_slice %arg2[%mul3A_2] : memref<425984xi32, #tpu.memory_space<hbm>> -> memref<13312xi32, #tpu.memory_space<hbm>>
    tpu.enqueue_dma source(%dma_start3A_3 : memref<13312xi32, #tpu.memory_space<hbm>>) target(%arg5 : memref<13312xi32, #tpu.memory_space<vmem>>) target_semaphore(%arg9 : memref<!tpu.dma_semaphore, #tpu.memory_space<semaphore_mem>>)
    %dma_wait3A = tpu.memref_slice %arg2[%mul3A_2] : memref<425984xi32, #tpu.memory_space<hbm>> -> memref<13312xi32, #tpu.memory_space<hbm>>
    %dma_wait3A_4 = tpu.memref_slice %arg2[%mul3A_2] : memref<425984xi32, #tpu.memory_space<hbm>> -> memref<13312xi32, #tpu.memory_space<hbm>>
    tpu.wait_dma2 semaphore(%arg9 : memref<!tpu.dma_semaphore, #tpu.memory_space<semaphore_mem>>) src(%dma_wait3A_4 : memref<13312xi32, #tpu.memory_space<hbm>>) dst(%arg5 : memref<13312xi32, #tpu.memory_space<vmem>>)
    %dma_start3A_5 = arith.constant 0 : i32
    %dma_start3A_6 = arith.constant 0 : i32
    %dma_start3A_7 = arith.constant 0 : i32
    %dma_start3A_8 = arith.constant 0 : i32
    %dma_start3A_9 = tpu.memref_slice %arg6[%dma_start3A_5, %dma_start3A_7, %dma_start3A_8] : memref<8x128x64xf32, #tpu.memory_space<vmem>> -> memref<1x128x64xf32, #tpu.memory_space<vmem>>
    %dma_start3A_10 = tpu.memref_squeeze %dma_start3A_9 : memref<1x128x64xf32, #tpu.memory_space<vmem>> -> memref<128x64xf32, #tpu.memory_space<vmem>>
    %dma_start3A_11 = arith.constant 0 : i32
    %dma_start3A_12 = tpu.memref_slice %arg5[%dma_start3A_11] : memref<13312xi32, #tpu.memory_space<vmem>> -> memref<128xi32, #tpu.memory_space<vmem>>
    %dma_start3A_13 = arith.constant 0 : i32
    %dma_start3A_14 = arith.constant 0 : i32
    %dma_start3A_15 = tpu.memref_slice %arg3[%dma_start3A_13, %dma_start3A_14] : memref<1000000x64xf32, #tpu.memory_space<hbm>> -> memref<1000000x64xf32, #tpu.memory_space<hbm>>
    %dma_start3A_16 = tpu.memref_slice %arg7[%dma_start3A_6] : memref<8x!tpu.dma_semaphore, #tpu.memory_space<semaphore_mem>> -> memref<1x!tpu.dma_semaphore, #tpu.memory_space<semaphore_mem>>
    %dma_start3A_17 = tpu.memref_squeeze %dma_start3A_16 : memref<1x!tpu.dma_semaphore, #tpu.memory_space<semaphore_mem>> -> memref<!tpu.dma_semaphore, #tpu.memory_space<semaphore_mem>>
    tpu.enqueue_indirect_dma source(%dma_start3A_15 : memref<1000000x64xf32, #tpu.memory_space<hbm>>) target(%dma_start3A_10 : memref<128x64xf32, #tpu.memory_space<vmem>>) offsets(%dma_start3A_12 : memref<128xi32, #tpu.memory_space<vmem>>) semaphore(%dma_start3A_17 : memref<!tpu.dma_semaphore, #tpu.memory_space<semaphore_mem>>)
    %dma_start3A_18 = arith.constant 1 : i32
    %dma_start3A_19 = arith.constant 1 : i32
    %dma_start3A_20 = arith.constant 0 : i32
    %dma_start3A_21 = arith.constant 0 : i32
    %dma_start3A_22 = tpu.memref_slice %arg6[%dma_start3A_18, %dma_start3A_20, %dma_start3A_21] : memref<8x128x64xf32, #tpu.memory_space<vmem>> -> memref<1x128x64xf32, #tpu.memory_space<vmem>>
    %dma_start3A_23 = tpu.memref_squeeze %dma_start3A_22 : memref<1x128x64xf32, #tpu.memory_space<vmem>> -> memref<128x64xf32, #tpu.memory_space<vmem>>
    %dma_start3A_24 = arith.constant 128 : i32
    %dma_start3A_25 = tpu.memref_slice %arg5[%dma_start3A_24] : memref<13312xi32, #tpu.memory_space<vmem>> -> memref<128xi32, #tpu.memory_space<vmem>>
    %dma_start3A_26 = arith.constant 0 : i32
    %dma_start3A_27 = arith.constant 0 : i32
    %dma_start3A_28 = tpu.memref_slice %arg3[%dma_start3A_26, %dma_start3A_27] : memref<1000000x64xf32, #tpu.memory_space<hbm>> -> memref<1000000x64xf32, #tpu.memory_space<hbm>>
    %dma_start3A_29 = tpu.memref_slice %arg7[%dma_start3A_19] : memref<8x!tpu.dma_semaphore, #tpu.memory_space<semaphore_mem>> -> memref<1x!tpu.dma_semaphore, #tpu.memory_space<semaphore_mem>>
    %dma_start3A_30 = tpu.memref_squeeze %dma_start3A_29 : memref<1x!tpu.dma_semaphore, #tpu.memory_space<semaphore_mem>> -> memref<!tpu.dma_semaphore, #tpu.memory_space<semaphore_mem>>
    tpu.enqueue_indirect_dma source(%dma_start3A_28 : memref<1000000x64xf32, #tpu.memory_space<hbm>>) target(%dma_start3A_23 : memref<128x64xf32, #tpu.memory_space<vmem>>) offsets(%dma_start3A_25 : memref<128xi32, #tpu.memory_space<vmem>>) semaphore(%dma_start3A_30 : memref<!tpu.dma_semaphore, #tpu.memory_space<semaphore_mem>>)
    %dma_start3A_31 = arith.constant 2 : i32
    %dma_start3A_32 = arith.constant 2 : i32
    %dma_start3A_33 = arith.constant 0 : i32
    %dma_start3A_34 = arith.constant 0 : i32
    %dma_start3A_35 = tpu.memref_slice %arg6[%dma_start3A_31, %dma_start3A_33, %dma_start3A_34] : memref<8x128x64xf32, #tpu.memory_space<vmem>> -> memref<1x128x64xf32, #tpu.memory_space<vmem>>
    %dma_start3A_36 = tpu.memref_squeeze %dma_start3A_35 : memref<1x128x64xf32, #tpu.memory_space<vmem>> -> memref<128x64xf32, #tpu.memory_space<vmem>>
    %dma_start3A_37 = arith.constant 256 : i32
    %dma_start3A_38 = tpu.memref_slice %arg5[%dma_start3A_37] : memref<13312xi32, #tpu.memory_space<vmem>> -> memref<128xi32, #tpu.memory_space<vmem>>
    %dma_start3A_39 = arith.constant 0 : i32
    %dma_start3A_40 = arith.constant 0 : i32
    %dma_start3A_41 = tpu.memref_slice %arg3[%dma_start3A_39, %dma_start3A_40] : memref<1000000x64xf32, #tpu.memory_space<hbm>> -> memref<1000000x64xf32, #tpu.memory_space<hbm>>
    %dma_start3A_42 = tpu.memref_slice %arg7[%dma_start3A_32] : memref<8x!tpu.dma_semaphore, #tpu.memory_space<semaphore_mem>> -> memref<1x!tpu.dma_semaphore, #tpu.memory_space<semaphore_mem>>
    %dma_start3A_43 = tpu.memref_squeeze %dma_start3A_42 : memref<1x!tpu.dma_semaphore, #tpu.memory_space<semaphore_mem>> -> memref<!tpu.dma_semaphore, #tpu.memory_space<semaphore_mem>>
    tpu.enqueue_indirect_dma source(%dma_start3A_41 : memref<1000000x64xf32, #tpu.memory_space<hbm>>) target(%dma_start3A_36 : memref<128x64xf32, #tpu.memory_space<vmem>>) offsets(%dma_start3A_38 : memref<128xi32, #tpu.memory_space<vmem>>) semaphore(%dma_start3A_43 : memref<!tpu.dma_semaphore, #tpu.memory_space<semaphore_mem>>)
    %dma_start3A_44 = arith.constant 3 : i32
    %dma_start3A_45 = arith.constant 3 : i32
    %dma_start3A_46 = arith.constant 0 : i32
    %dma_start3A_47 = arith.constant 0 : i32
    %dma_start3A_48 = tpu.memref_slice %arg6[%dma_start3A_44, %dma_start3A_46, %dma_start3A_47] : memref<8x128x64xf32, #tpu.memory_space<vmem>> -> memref<1x128x64xf32, #tpu.memory_space<vmem>>
    %dma_start3A_49 = tpu.memref_squeeze %dma_start3A_48 : memref<1x128x64xf32, #tpu.memory_space<vmem>> -> memref<128x64xf32, #tpu.memory_space<vmem>>
    %dma_start3A_50 = arith.constant 384 : i32
    %dma_start3A_51 = tpu.memref_slice %arg5[%dma_start3A_50] : memref<13312xi32, #tpu.memory_space<vmem>> -> memref<128xi32, #tpu.memory_space<vmem>>
    %dma_start3A_52 = arith.constant 0 : i32
    %dma_start3A_53 = arith.constant 0 : i32
    %dma_start3A_54 = tpu.memref_slice %arg3[%dma_start3A_52, %dma_start3A_53] : memref<1000000x64xf32, #tpu.memory_space<hbm>> -> memref<1000000x64xf32, #tpu.memory_space<hbm>>
    %dma_start3A_55 = tpu.memref_slice %arg7[%dma_start3A_45] : memref<8x!tpu.dma_semaphore, #tpu.memory_space<semaphore_mem>> -> memref<1x!tpu.dma_semaphore, #tpu.memory_space<semaphore_mem>>
    %dma_start3A_56 = tpu.memref_squeeze %dma_start3A_55 : memref<1x!tpu.dma_semaphore, #tpu.memory_space<semaphore_mem>> -> memref<!tpu.dma_semaphore, #tpu.memory_space<semaphore_mem>>
    tpu.enqueue_indirect_dma source(%dma_start3A_54 : memref<1000000x64xf32, #tpu.memory_space<hbm>>) target(%dma_start3A_49 : memref<128x64xf32, #tpu.memory_space<vmem>>) offsets(%dma_start3A_51 : memref<128xi32, #tpu.memory_space<vmem>>) semaphore(%dma_start3A_56 : memref<!tpu.dma_semaphore, #tpu.memory_space<semaphore_mem>>)
    %dma_start3A_57 = arith.constant 4 : i32
    %dma_start3A_58 = arith.constant 4 : i32
    %dma_start3A_59 = arith.constant 0 : i32
    %dma_start3A_60 = arith.constant 0 : i32
    %dma_start3A_61 = tpu.memref_slice %arg6[%dma_start3A_57, %dma_start3A_59, %dma_start3A_60] : memref<8x128x64xf32, #tpu.memory_space<vmem>> -> memref<1x128x64xf32, #tpu.memory_space<vmem>>
    %dma_start3A_62 = tpu.memref_squeeze %dma_start3A_61 : memref<1x128x64xf32, #tpu.memory_space<vmem>> -> memref<128x64xf32, #tpu.memory_space<vmem>>
    %dma_start3A_63 = arith.constant 512 : i32
    %dma_start3A_64 = tpu.memref_slice %arg5[%dma_start3A_63] : memref<13312xi32, #tpu.memory_space<vmem>> -> memref<128xi32, #tpu.memory_space<vmem>>
    %dma_start3A_65 = arith.constant 0 : i32
    %dma_start3A_66 = arith.constant 0 : i32
    %dma_start3A_67 = tpu.memref_slice %arg3[%dma_start3A_65, %dma_start3A_66] : memref<1000000x64xf32, #tpu.memory_space<hbm>> -> memref<1000000x64xf32, #tpu.memory_space<hbm>>
    %dma_start3A_68 = tpu.memref_slice %arg7[%dma_start3A_58] : memref<8x!tpu.dma_semaphore, #tpu.memory_space<semaphore_mem>> -> memref<1x!tpu.dma_semaphore, #tpu.memory_space<semaphore_mem>>
    %dma_start3A_69 = tpu.memref_squeeze %dma_start3A_68 : memref<1x!tpu.dma_semaphore, #tpu.memory_space<semaphore_mem>> -> memref<!tpu.dma_semaphore, #tpu.memory_space<semaphore_mem>>
    tpu.enqueue_indirect_dma source(%dma_start3A_67 : memref<1000000x64xf32, #tpu.memory_space<hbm>>) target(%dma_start3A_62 : memref<128x64xf32, #tpu.memory_space<vmem>>) offsets(%dma_start3A_64 : memref<128xi32, #tpu.memory_space<vmem>>) semaphore(%dma_start3A_69 : memref<!tpu.dma_semaphore, #tpu.memory_space<semaphore_mem>>)
    %dma_start3A_70 = arith.constant 5 : i32
    %dma_start3A_71 = arith.constant 5 : i32
    %dma_start3A_72 = arith.constant 0 : i32
    %dma_start3A_73 = arith.constant 0 : i32
    %dma_start3A_74 = tpu.memref_slice %arg6[%dma_start3A_70, %dma_start3A_72, %dma_start3A_73] : memref<8x128x64xf32, #tpu.memory_space<vmem>> -> memref<1x128x64xf32, #tpu.memory_space<vmem>>
    %dma_start3A_75 = tpu.memref_squeeze %dma_start3A_74 : memref<1x128x64xf32, #tpu.memory_space<vmem>> -> memref<128x64xf32, #tpu.memory_space<vmem>>
    %dma_start3A_76 = arith.constant 640 : i32
    %dma_start3A_77 = tpu.memref_slice %arg5[%dma_start3A_76] : memref<13312xi32, #tpu.memory_space<vmem>> -> memref<128xi32, #tpu.memory_space<vmem>>
    %dma_start3A_78 = arith.constant 0 : i32
    %dma_start3A_79 = arith.constant 0 : i32
    %dma_start3A_80 = tpu.memref_slice %arg3[%dma_start3A_78, %dma_start3A_79] : memref<1000000x64xf32, #tpu.memory_space<hbm>> -> memref<1000000x64xf32, #tpu.memory_space<hbm>>
    %dma_start3A_81 = tpu.memref_slice %arg7[%dma_start3A_71] : memref<8x!tpu.dma_semaphore, #tpu.memory_space<semaphore_mem>> -> memref<1x!tpu.dma_semaphore, #tpu.memory_space<semaphore_mem>>
    %dma_start3A_82 = tpu.memref_squeeze %dma_start3A_81 : memref<1x!tpu.dma_semaphore, #tpu.memory_space<semaphore_mem>> -> memref<!tpu.dma_semaphore, #tpu.memory_space<semaphore_mem>>
    tpu.enqueue_indirect_dma source(%dma_start3A_80 : memref<1000000x64xf32, #tpu.memory_space<hbm>>) target(%dma_start3A_75 : memref<128x64xf32, #tpu.memory_space<vmem>>) offsets(%dma_start3A_77 : memref<128xi32, #tpu.memory_space<vmem>>) semaphore(%dma_start3A_82 : memref<!tpu.dma_semaphore, #tpu.memory_space<semaphore_mem>>)
    %dma_start3A_83 = arith.constant 6 : i32
    %dma_start3A_84 = arith.constant 6 : i32
    %dma_start3A_85 = arith.constant 0 : i32
    %dma_start3A_86 = arith.constant 0 : i32
    %dma_start3A_87 = tpu.memref_slice %arg6[%dma_start3A_83, %dma_start3A_85, %dma_start3A_86] : memref<8x128x64xf32, #tpu.memory_space<vmem>> -> memref<1x128x64xf32, #tpu.memory_space<vmem>>
    %dma_start3A_88 = tpu.memref_squeeze %dma_start3A_87 : memref<1x128x64xf32, #tpu.memory_space<vmem>> -> memref<128x64xf32, #tpu.memory_space<vmem>>
    %dma_start3A_89 = arith.constant 768 : i32
    %dma_start3A_90 = tpu.memref_slice %arg5[%dma_start3A_89] : memref<13312xi32, #tpu.memory_space<vmem>> -> memref<128xi32, #tpu.memory_space<vmem>>
    %dma_start3A_91 = arith.constant 0 : i32
    %dma_start3A_92 = arith.constant 0 : i32
    %dma_start3A_93 = tpu.memref_slice %arg3[%dma_start3A_91, %dma_start3A_92] : memref<1000000x64xf32, #tpu.memory_space<hbm>> -> memref<1000000x64xf32, #tpu.memory_space<hbm>>
    %dma_start3A_94 = tpu.memref_slice %arg7[%dma_start3A_84] : memref<8x!tpu.dma_semaphore, #tpu.memory_space<semaphore_mem>> -> memref<1x!tpu.dma_semaphore, #tpu.memory_space<semaphore_mem>>
    %dma_start3A_95 = tpu.memref_squeeze %dma_start3A_94 : memref<1x!tpu.dma_semaphore, #tpu.memory_space<semaphore_mem>> -> memref<!tpu.dma_semaphore, #tpu.memory_space<semaphore_mem>>
    tpu.enqueue_indirect_dma source(%dma_start3A_93 : memref<1000000x64xf32, #tpu.memory_space<hbm>>) target(%dma_start3A_88 : memref<128x64xf32, #tpu.memory_space<vmem>>) offsets(%dma_start3A_90 : memref<128xi32, #tpu.memory_space<vmem>>) semaphore(%dma_start3A_95 : memref<!tpu.dma_semaphore, #tpu.memory_space<semaphore_mem>>)
    %dma_start3A_96 = arith.constant 7 : i32
    %dma_start3A_97 = arith.constant 7 : i32
    %dma_start3A_98 = arith.constant 0 : i32
    %dma_start3A_99 = arith.constant 0 : i32
    %dma_start3A_100 = tpu.memref_slice %arg6[%dma_start3A_96, %dma_start3A_98, %dma_start3A_99] : memref<8x128x64xf32, #tpu.memory_space<vmem>> -> memref<1x128x64xf32, #tpu.memory_space<vmem>>
    %dma_start3A_101 = tpu.memref_squeeze %dma_start3A_100 : memref<1x128x64xf32, #tpu.memory_space<vmem>> -> memref<128x64xf32, #tpu.memory_space<vmem>>
    %dma_start3A_102 = arith.constant 896 : i32
    %dma_start3A_103 = tpu.memref_slice %arg5[%dma_start3A_102] : memref<13312xi32, #tpu.memory_space<vmem>> -> memref<128xi32, #tpu.memory_space<vmem>>
    %dma_start3A_104 = arith.constant 0 : i32
    %dma_start3A_105 = arith.constant 0 : i32
    %dma_start3A_106 = tpu.memref_slice %arg3[%dma_start3A_104, %dma_start3A_105] : memref<1000000x64xf32, #tpu.memory_space<hbm>> -> memref<1000000x64xf32, #tpu.memory_space<hbm>>
    %dma_start3A_107 = tpu.memref_slice %arg7[%dma_start3A_97] : memref<8x!tpu.dma_semaphore, #tpu.memory_space<semaphore_mem>> -> memref<1x!tpu.dma_semaphore, #tpu.memory_space<semaphore_mem>>
    %dma_start3A_108 = tpu.memref_squeeze %dma_start3A_107 : memref<1x!tpu.dma_semaphore, #tpu.memory_space<semaphore_mem>> -> memref<!tpu.dma_semaphore, #tpu.memory_space<semaphore_mem>>
    tpu.enqueue_indirect_dma source(%dma_start3A_106 : memref<1000000x64xf32, #tpu.memory_space<hbm>>) target(%dma_start3A_101 : memref<128x64xf32, #tpu.memory_space<vmem>>) offsets(%dma_start3A_103 : memref<128xi32, #tpu.memory_space<vmem>>) semaphore(%dma_start3A_108 : memref<!tpu.dma_semaphore, #tpu.memory_space<semaphore_mem>>)
    %scan3A = arith.constant 0 : i32
    %scan3A_109 = arith.constant 0 : i32
    %scan3A_110 = arith.constant 13 : i32
    %scan3A_111 = arith.addi %scan3A_109, %scan3A_110 : i32
    %scan3A_112 = arith.constant 1 : i32
    scf.for %scan3A_258 = %scan3A_109 to %scan3A_111 step %scan3A_112  : i32 {
      %mul3A_259 = arith.constant 8 : i32
      %mul3A_260 = arith.muli %scan3A_258, %mul3A_259 : i32
      %add3A_261 = arith.constant 0 : i32
      %add3A_262 = arith.addi %mul3A_260, %add3A_261 : i32
      %mul3A_263 = arith.constant 128 : i32
      %mul3A_264 = arith.muli %add3A_262, %mul3A_263 : i32
      %dma_wait3A_265 = arith.constant 0 : i32
      %dma_wait3A_266 = arith.constant 0 : i32
      %dma_wait3A_267 = arith.constant 0 : i32
      %dma_wait3A_268 = arith.constant 0 : i32
      %dma_wait3A_269 = tpu.memref_slice %arg6[%dma_wait3A_265, %dma_wait3A_267, %dma_wait3A_268] : memref<8x128x64xf32, #tpu.memory_space<vmem>> -> memref<1x128x64xf32, #tpu.memory_space<vmem>>
      %dma_wait3A_270 = tpu.memref_squeeze %dma_wait3A_269 : memref<1x128x64xf32, #tpu.memory_space<vmem>> -> memref<128x64xf32, #tpu.memory_space<vmem>>
      %dma_wait3A_271 = tpu.memref_slice %arg5[%mul3A_264] : memref<13312xi32, #tpu.memory_space<vmem>> -> memref<128xi32, #tpu.memory_space<vmem>>
      %dma_wait3A_272 = arith.constant 0 : i32
      %dma_wait3A_273 = arith.constant 0 : i32
      %dma_wait3A_274 = tpu.memref_slice %arg3[%dma_wait3A_272, %dma_wait3A_273] : memref<1000000x64xf32, #tpu.memory_space<hbm>> -> memref<1000000x64xf32, #tpu.memory_space<hbm>>
      %dma_wait3A_275 = tpu.memref_slice %arg7[%dma_wait3A_266] : memref<8x!tpu.dma_semaphore, #tpu.memory_space<semaphore_mem>> -> memref<1x!tpu.dma_semaphore, #tpu.memory_space<semaphore_mem>>
      %dma_wait3A_276 = tpu.memref_squeeze %dma_wait3A_275 : memref<1x!tpu.dma_semaphore, #tpu.memory_space<semaphore_mem>> -> memref<!tpu.dma_semaphore, #tpu.memory_space<semaphore_mem>>
      tpu.wait_indirect_dma semaphore(%dma_wait3A_276 : memref<!tpu.dma_semaphore, #tpu.memory_space<semaphore_mem>>) src(%dma_wait3A_274 : memref<1000000x64xf32, #tpu.memory_space<hbm>>) dst(%dma_wait3A_270 : memref<128x64xf32, #tpu.memory_space<vmem>>)
      %mul3A_277 = arith.constant 128 : i32
      %mul3A_278 = arith.muli %add3A_262, %mul3A_277 : i32
      %add3A_279 = arith.addi %mul3A_2, %mul3A_278 : i32
      %dma_start3A_280 = arith.constant 0 : i32
      %dma_start3A_281 = arith.constant 0 : i32
      %dma_start3A_282 = arith.constant 0 : i32
      %dma_start3A_283 = arith.constant 0 : i32
      %dma_start3A_284 = tpu.memref_slice %arg6[%dma_start3A_280, %dma_start3A_282, %dma_start3A_283] : memref<8x128x64xf32, #tpu.memory_space<vmem>> -> memref<1x128x64xf32, #tpu.memory_space<vmem>>
      %dma_start3A_285 = tpu.memref_squeeze %dma_start3A_284 : memref<1x128x64xf32, #tpu.memory_space<vmem>> -> memref<128x64xf32, #tpu.memory_space<vmem>>
      %dma_start3A_286 = arith.constant 0 : i32
      %dma_start3A_287 = tpu.memref_slice %arg4[%add3A_279, %dma_start3A_286] : memref<425984x64xf32, #tpu.memory_space<hbm>> -> memref<128x64xf32, #tpu.memory_space<hbm>>
      %dma_start3A_288 = tpu.memref_slice %arg8[%dma_start3A_281] : memref<8x!tpu.dma_semaphore, #tpu.memory_space<semaphore_mem>> -> memref<1x!tpu.dma_semaphore, #tpu.memory_space<semaphore_mem>>
      %dma_start3A_289 = tpu.memref_squeeze %dma_start3A_288 : memref<1x!tpu.dma_semaphore, #tpu.memory_space<semaphore_mem>> -> memref<!tpu.dma_semaphore, #tpu.memory_space<semaphore_mem>>
      %dma_start3A_290 = arith.constant 0 : i32
      %dma_start3A_291 = tpu.memref_slice %arg4[%add3A_279, %dma_start3A_290] : memref<425984x64xf32, #tpu.memory_space<hbm>> -> memref<128x64xf32, #tpu.memory_space<hbm>>
      %dma_start3A_292 = arith.constant 0 : i32
      %dma_start3A_293 = arith.constant 0 : i32
      %dma_start3A_294 = tpu.memref_slice %arg6[%dma_start3A_280, %dma_start3A_292, %dma_start3A_293] : memref<8x128x64xf32, #tpu.memory_space<vmem>> -> memref<1x128x64xf32, #tpu.memory_space<vmem>>
      %dma_start3A_295 = tpu.memref_squeeze %dma_start3A_294 : memref<1x128x64xf32, #tpu.memory_space<vmem>> -> memref<128x64xf32, #tpu.memory_space<vmem>>
      tpu.enqueue_dma source(%dma_start3A_295 : memref<128x64xf32, #tpu.memory_space<vmem>>) target(%dma_start3A_291 : memref<128x64xf32, #tpu.memory_space<hbm>>) target_semaphore(%dma_start3A_289 : memref<!tpu.dma_semaphore, #tpu.memory_space<semaphore_mem>>)
      %lt3A = arith.constant 12 : i32
      %lt3A_296 = arith.cmpi slt, %scan3A_258, %lt3A : i32
      %convert_element_type3A = arith.extui %lt3A_296 : i1 to i32
      %cond3A = arith.constant 0 : i32
      %cond3A_297 = arith.cmpi ne, %convert_element_type3A, %cond3A : i32
      scf.if %cond3A_297 {
        %mul3A_592 = arith.constant 128 : i32
        %mul3A_593 = arith.muli %add3A_262, %mul3A_592 : i32
        %add3A_594 = arith.addi %mul3A_2, %mul3A_593 : i32
        %dma_wait3A_595 = arith.constant 0 : i32
        %dma_wait3A_596 = arith.constant 0 : i32
        %dma_wait3A_597 = arith.constant 0 : i32
        %dma_wait3A_598 = arith.constant 0 : i32
        %dma_wait3A_599 = tpu.memref_slice %arg6[%dma_wait3A_595, %dma_wait3A_597, %dma_wait3A_598] : memref<8x128x64xf32, #tpu.memory_space<vmem>> -> memref<1x128x64xf32, #tpu.memory_space<vmem>>
        %dma_wait3A_600 = tpu.memref_squeeze %dma_wait3A_599 : memref<1x128x64xf32, #tpu.memory_space<vmem>> -> memref<128x64xf32, #tpu.memory_space<vmem>>
        %dma_wait3A_601 = arith.constant 0 : i32
        %dma_wait3A_602 = tpu.memref_slice %arg4[%add3A_594, %dma_wait3A_601] : memref<425984x64xf32, #tpu.memory_space<hbm>> -> memref<128x64xf32, #tpu.memory_space<hbm>>
        %dma_wait3A_603 = tpu.memref_slice %arg8[%dma_wait3A_596] : memref<8x!tpu.dma_semaphore, #tpu.memory_space<semaphore_mem>> -> memref<1x!tpu.dma_semaphore, #tpu.memory_space<semaphore_mem>>
        %dma_wait3A_604 = tpu.memref_squeeze %dma_wait3A_603 : memref<1x!tpu.dma_semaphore, #tpu.memory_space<semaphore_mem>> -> memref<!tpu.dma_semaphore, #tpu.memory_space<semaphore_mem>>
        %dma_wait3A_605 = arith.constant 0 : i32
        %dma_wait3A_606 = tpu.memref_slice %arg4[%add3A_594, %dma_wait3A_605] : memref<425984x64xf32, #tpu.memory_space<hbm>> -> memref<128x64xf32, #tpu.memory_space<hbm>>
        %dma_wait3A_607 = arith.constant 0 : i32
        %dma_wait3A_608 = arith.constant 0 : i32
        %dma_wait3A_609 = tpu.memref_slice %arg6[%dma_wait3A_595, %dma_wait3A_607, %dma_wait3A_608] : memref<8x128x64xf32, #tpu.memory_space<vmem>> -> memref<1x128x64xf32, #tpu.memory_space<vmem>>
        %dma_wait3A_610 = tpu.memref_squeeze %dma_wait3A_609 : memref<1x128x64xf32, #tpu.memory_space<vmem>> -> memref<128x64xf32, #tpu.memory_space<vmem>>
        tpu.wait_dma2 semaphore(%dma_wait3A_604 : memref<!tpu.dma_semaphore, #tpu.memory_space<semaphore_mem>>) src(%dma_wait3A_610 : memref<128x64xf32, #tpu.memory_space<vmem>>) dst(%dma_wait3A_606 : memref<128x64xf32, #tpu.memory_space<hbm>>)
        %add3A_611 = arith.constant 8 : i32
        %add3A_612 = arith.addi %add3A_262, %add3A_611 : i32
        %mul3A_613 = arith.constant 128 : i32
        %mul3A_614 = arith.muli %add3A_612, %mul3A_613 : i32
        %dma_start3A_615 = arith.constant 0 : i32
        %dma_start3A_616 = arith.constant 0 : i32
        %dma_start3A_617 = arith.constant 0 : i32
        %dma_start3A_618 = arith.constant 0 : i32
        %dma_start3A_619 = tpu.memref_slice %arg6[%dma_start3A_615, %dma_start3A_617, %dma_start3A_618] : memref<8x128x64xf32, #tpu.memory_space<vmem>> -> memref<1x128x64xf32, #tpu.memory_space<vmem>>
        %dma_start3A_620 = tpu.memref_squeeze %dma_start3A_619 : memref<1x128x64xf32, #tpu.memory_space<vmem>> -> memref<128x64xf32, #tpu.memory_space<vmem>>
        %dma_start3A_621 = tpu.memref_slice %arg5[%mul3A_614] : memref<13312xi32, #tpu.memory_space<vmem>> -> memref<128xi32, #tpu.memory_space<vmem>>
        %dma_start3A_622 = arith.constant 0 : i32
        %dma_start3A_623 = arith.constant 0 : i32
        %dma_start3A_624 = tpu.memref_slice %arg3[%dma_start3A_622, %dma_start3A_623] : memref<1000000x64xf32, #tpu.memory_space<hbm>> -> memref<1000000x64xf32, #tpu.memory_space<hbm>>
        %dma_start3A_625 = tpu.memref_slice %arg7[%dma_start3A_616] : memref<8x!tpu.dma_semaphore, #tpu.memory_space<semaphore_mem>> -> memref<1x!tpu.dma_semaphore, #tpu.memory_space<semaphore_mem>>
        %dma_start3A_626 = tpu.memref_squeeze %dma_start3A_625 : memref<1x!tpu.dma_semaphore, #tpu.memory_space<semaphore_mem>> -> memref<!tpu.dma_semaphore, #tpu.memory_space<semaphore_mem>>
        tpu.enqueue_indirect_dma source(%dma_start3A_624 : memref<1000000x64xf32, #tpu.memory_space<hbm>>) target(%dma_start3A_620 : memref<128x64xf32, #tpu.memory_space<vmem>>) offsets(%dma_start3A_621 : memref<128xi32, #tpu.memory_space<vmem>>) semaphore(%dma_start3A_626 : memref<!tpu.dma_semaphore, #tpu.memory_space<semaphore_mem>>)
      } else {
      }
      %mul3A_298 = arith.constant 8 : i32
      %mul3A_299 = arith.muli %scan3A_258, %mul3A_298 : i32
      %add3A_300 = arith.constant 1 : i32
      %add3A_301 = arith.addi %mul3A_299, %add3A_300 : i32
      %mul3A_302 = arith.constant 128 : i32
      %mul3A_303 = arith.muli %add3A_301, %mul3A_302 : i32
      %dma_wait3A_304 = arith.constant 1 : i32
      %dma_wait3A_305 = arith.constant 1 : i32
      %dma_wait3A_306 = arith.constant 0 : i32
      %dma_wait3A_307 = arith.constant 0 : i32
      %dma_wait3A_308 = tpu.memref_slice %arg6[%dma_wait3A_304, %dma_wait3A_306, %dma_wait3A_307] : memref<8x128x64xf32, #tpu.memory_space<vmem>> -> memref<1x128x64xf32, #tpu.memory_space<vmem>>
      %dma_wait3A_309 = tpu.memref_squeeze %dma_wait3A_308 : memref<1x128x64xf32, #tpu.memory_space<vmem>> -> memref<128x64xf32, #tpu.memory_space<vmem>>
      %dma_wait3A_310 = tpu.memref_slice %arg5[%mul3A_303] : memref<13312xi32, #tpu.memory_space<vmem>> -> memref<128xi32, #tpu.memory_space<vmem>>
      %dma_wait3A_311 = arith.constant 0 : i32
      %dma_wait3A_312 = arith.constant 0 : i32
      %dma_wait3A_313 = tpu.memref_slice %arg3[%dma_wait3A_311, %dma_wait3A_312] : memref<1000000x64xf32, #tpu.memory_space<hbm>> -> memref<1000000x64xf32, #tpu.memory_space<hbm>>
      %dma_wait3A_314 = tpu.memref_slice %arg7[%dma_wait3A_305] : memref<8x!tpu.dma_semaphore, #tpu.memory_space<semaphore_mem>> -> memref<1x!tpu.dma_semaphore, #tpu.memory_space<semaphore_mem>>
      %dma_wait3A_315 = tpu.memref_squeeze %dma_wait3A_314 : memref<1x!tpu.dma_semaphore, #tpu.memory_space<semaphore_mem>> -> memref<!tpu.dma_semaphore, #tpu.memory_space<semaphore_mem>>
      tpu.wait_indirect_dma semaphore(%dma_wait3A_315 : memref<!tpu.dma_semaphore, #tpu.memory_space<semaphore_mem>>) src(%dma_wait3A_313 : memref<1000000x64xf32, #tpu.memory_space<hbm>>) dst(%dma_wait3A_309 : memref<128x64xf32, #tpu.memory_space<vmem>>)
      %mul3A_316 = arith.constant 128 : i32
      %mul3A_317 = arith.muli %add3A_301, %mul3A_316 : i32
      %add3A_318 = arith.addi %mul3A_2, %mul3A_317 : i32
      %dma_start3A_319 = arith.constant 1 : i32
      %dma_start3A_320 = arith.constant 1 : i32
      %dma_start3A_321 = arith.constant 0 : i32
      %dma_start3A_322 = arith.constant 0 : i32
      %dma_start3A_323 = tpu.memref_slice %arg6[%dma_start3A_319, %dma_start3A_321, %dma_start3A_322] : memref<8x128x64xf32, #tpu.memory_space<vmem>> -> memref<1x128x64xf32, #tpu.memory_space<vmem>>
      %dma_start3A_324 = tpu.memref_squeeze %dma_start3A_323 : memref<1x128x64xf32, #tpu.memory_space<vmem>> -> memref<128x64xf32, #tpu.memory_space<vmem>>
      %dma_start3A_325 = arith.constant 0 : i32
      %dma_start3A_326 = tpu.memref_slice %arg4[%add3A_318, %dma_start3A_325] : memref<425984x64xf32, #tpu.memory_space<hbm>> -> memref<128x64xf32, #tpu.memory_space<hbm>>
      %dma_start3A_327 = tpu.memref_slice %arg8[%dma_start3A_320] : memref<8x!tpu.dma_semaphore, #tpu.memory_space<semaphore_mem>> -> memref<1x!tpu.dma_semaphore, #tpu.memory_space<semaphore_mem>>
      %dma_start3A_328 = tpu.memref_squeeze %dma_start3A_327 : memref<1x!tpu.dma_semaphore, #tpu.memory_space<semaphore_mem>> -> memref<!tpu.dma_semaphore, #tpu.memory_space<semaphore_mem>>
      %dma_start3A_329 = arith.constant 0 : i32
      %dma_start3A_330 = tpu.memref_slice %arg4[%add3A_318, %dma_start3A_329] : memref<425984x64xf32, #tpu.memory_space<hbm>> -> memref<128x64xf32, #tpu.memory_space<hbm>>
      %dma_start3A_331 = arith.constant 0 : i32
      %dma_start3A_332 = arith.constant 0 : i32
      %dma_start3A_333 = tpu.memref_slice %arg6[%dma_start3A_319, %dma_start3A_331, %dma_start3A_332] : memref<8x128x64xf32, #tpu.memory_space<vmem>> -> memref<1x128x64xf32, #tpu.memory_space<vmem>>
      %dma_start3A_334 = tpu.memref_squeeze %dma_start3A_333 : memref<1x128x64xf32, #tpu.memory_space<vmem>> -> memref<128x64xf32, #tpu.memory_space<vmem>>
      tpu.enqueue_dma source(%dma_start3A_334 : memref<128x64xf32, #tpu.memory_space<vmem>>) target(%dma_start3A_330 : memref<128x64xf32, #tpu.memory_space<hbm>>) target_semaphore(%dma_start3A_328 : memref<!tpu.dma_semaphore, #tpu.memory_space<semaphore_mem>>)
      %lt3A_335 = arith.constant 12 : i32
      %lt3A_336 = arith.cmpi slt, %scan3A_258, %lt3A_335 : i32
      %convert_element_type3A_337 = arith.extui %lt3A_336 : i1 to i32
      %cond3A_338 = arith.constant 0 : i32
      %cond3A_339 = arith.cmpi ne, %convert_element_type3A_337, %cond3A_338 : i32
      scf.if %cond3A_339 {
        %mul3A_592 = arith.constant 128 : i32
        %mul3A_593 = arith.muli %add3A_301, %mul3A_592 : i32
        %add3A_594 = arith.addi %mul3A_2, %mul3A_593 : i32
        %dma_wait3A_595 = arith.constant 1 : i32
        %dma_wait3A_596 = arith.constant 1 : i32
        %dma_wait3A_597 = arith.constant 0 : i32
        %dma_wait3A_598 = arith.constant 0 : i32
        %dma_wait3A_599 = tpu.memref_slice %arg6[%dma_wait3A_595, %dma_wait3A_597, %dma_wait3A_598] : memref<8x128x64xf32, #tpu.memory_space<vmem>> -> memref<1x128x64xf32, #tpu.memory_space<vmem>>
        %dma_wait3A_600 = tpu.memref_squeeze %dma_wait3A_599 : memref<1x128x64xf32, #tpu.memory_space<vmem>> -> memref<128x64xf32, #tpu.memory_space<vmem>>
        %dma_wait3A_601 = arith.constant 0 : i32
        %dma_wait3A_602 = tpu.memref_slice %arg4[%add3A_594, %dma_wait3A_601] : memref<425984x64xf32, #tpu.memory_space<hbm>> -> memref<128x64xf32, #tpu.memory_space<hbm>>
        %dma_wait3A_603 = tpu.memref_slice %arg8[%dma_wait3A_596] : memref<8x!tpu.dma_semaphore, #tpu.memory_space<semaphore_mem>> -> memref<1x!tpu.dma_semaphore, #tpu.memory_space<semaphore_mem>>
        %dma_wait3A_604 = tpu.memref_squeeze %dma_wait3A_603 : memref<1x!tpu.dma_semaphore, #tpu.memory_space<semaphore_mem>> -> memref<!tpu.dma_semaphore, #tpu.memory_space<semaphore_mem>>
        %dma_wait3A_605 = arith.constant 0 : i32
        %dma_wait3A_606 = tpu.memref_slice %arg4[%add3A_594, %dma_wait3A_605] : memref<425984x64xf32, #tpu.memory_space<hbm>> -> memref<128x64xf32, #tpu.memory_space<hbm>>
        %dma_wait3A_607 = arith.constant 0 : i32
        %dma_wait3A_608 = arith.constant 0 : i32
        %dma_wait3A_609 = tpu.memref_slice %arg6[%dma_wait3A_595, %dma_wait3A_607, %dma_wait3A_608] : memref<8x128x64xf32, #tpu.memory_space<vmem>> -> memref<1x128x64xf32, #tpu.memory_space<vmem>>
        %dma_wait3A_610 = tpu.memref_squeeze %dma_wait3A_609 : memref<1x128x64xf32, #tpu.memory_space<vmem>> -> memref<128x64xf32, #tpu.memory_space<vmem>>
        tpu.wait_dma2 semaphore(%dma_wait3A_604 : memref<!tpu.dma_semaphore, #tpu.memory_space<semaphore_mem>>) src(%dma_wait3A_610 : memref<128x64xf32, #tpu.memory_space<vmem>>) dst(%dma_wait3A_606 : memref<128x64xf32, #tpu.memory_space<hbm>>)
        %add3A_611 = arith.constant 8 : i32
        %add3A_612 = arith.addi %add3A_301, %add3A_611 : i32
        %mul3A_613 = arith.constant 128 : i32
        %mul3A_614 = arith.muli %add3A_612, %mul3A_613 : i32
        %dma_start3A_615 = arith.constant 1 : i32
        %dma_start3A_616 = arith.constant 1 : i32
        %dma_start3A_617 = arith.constant 0 : i32
        %dma_start3A_618 = arith.constant 0 : i32
        %dma_start3A_619 = tpu.memref_slice %arg6[%dma_start3A_615, %dma_start3A_617, %dma_start3A_618] : memref<8x128x64xf32, #tpu.memory_space<vmem>> -> memref<1x128x64xf32, #tpu.memory_space<vmem>>
        %dma_start3A_620 = tpu.memref_squeeze %dma_start3A_619 : memref<1x128x64xf32, #tpu.memory_space<vmem>> -> memref<128x64xf32, #tpu.memory_space<vmem>>
        %dma_start3A_621 = tpu.memref_slice %arg5[%mul3A_614] : memref<13312xi32, #tpu.memory_space<vmem>> -> memref<128xi32, #tpu.memory_space<vmem>>
        %dma_start3A_622 = arith.constant 0 : i32
        %dma_start3A_623 = arith.constant 0 : i32
        %dma_start3A_624 = tpu.memref_slice %arg3[%dma_start3A_622, %dma_start3A_623] : memref<1000000x64xf32, #tpu.memory_space<hbm>> -> memref<1000000x64xf32, #tpu.memory_space<hbm>>
        %dma_start3A_625 = tpu.memref_slice %arg7[%dma_start3A_616] : memref<8x!tpu.dma_semaphore, #tpu.memory_space<semaphore_mem>> -> memref<1x!tpu.dma_semaphore, #tpu.memory_space<semaphore_mem>>
        %dma_start3A_626 = tpu.memref_squeeze %dma_start3A_625 : memref<1x!tpu.dma_semaphore, #tpu.memory_space<semaphore_mem>> -> memref<!tpu.dma_semaphore, #tpu.memory_space<semaphore_mem>>
        tpu.enqueue_indirect_dma source(%dma_start3A_624 : memref<1000000x64xf32, #tpu.memory_space<hbm>>) target(%dma_start3A_620 : memref<128x64xf32, #tpu.memory_space<vmem>>) offsets(%dma_start3A_621 : memref<128xi32, #tpu.memory_space<vmem>>) semaphore(%dma_start3A_626 : memref<!tpu.dma_semaphore, #tpu.memory_space<semaphore_mem>>)
      } else {
      }
      %mul3A_340 = arith.constant 8 : i32
      %mul3A_341 = arith.muli %scan3A_258, %mul3A_340 : i32
      %add3A_342 = arith.constant 2 : i32
      %add3A_343 = arith.addi %mul3A_341, %add3A_342 : i32
      %mul3A_344 = arith.constant 128 : i32
      %mul3A_345 = arith.muli %add3A_343, %mul3A_344 : i32
      %dma_wait3A_346 = arith.constant 2 : i32
      %dma_wait3A_347 = arith.constant 2 : i32
      %dma_wait3A_348 = arith.constant 0 : i32
      %dma_wait3A_349 = arith.constant 0 : i32
      %dma_wait3A_350 = tpu.memref_slice %arg6[%dma_wait3A_346, %dma_wait3A_348, %dma_wait3A_349] : memref<8x128x64xf32, #tpu.memory_space<vmem>> -> memref<1x128x64xf32, #tpu.memory_space<vmem>>
      %dma_wait3A_351 = tpu.memref_squeeze %dma_wait3A_350 : memref<1x128x64xf32, #tpu.memory_space<vmem>> -> memref<128x64xf32, #tpu.memory_space<vmem>>
      %dma_wait3A_352 = tpu.memref_slice %arg5[%mul3A_345] : memref<13312xi32, #tpu.memory_space<vmem>> -> memref<128xi32, #tpu.memory_space<vmem>>
      %dma_wait3A_353 = arith.constant 0 : i32
      %dma_wait3A_354 = arith.constant 0 : i32
      %dma_wait3A_355 = tpu.memref_slice %arg3[%dma_wait3A_353, %dma_wait3A_354] : memref<1000000x64xf32, #tpu.memory_space<hbm>> -> memref<1000000x64xf32, #tpu.memory_space<hbm>>
      %dma_wait3A_356 = tpu.memref_slice %arg7[%dma_wait3A_347] : memref<8x!tpu.dma_semaphore, #tpu.memory_space<semaphore_mem>> -> memref<1x!tpu.dma_semaphore, #tpu.memory_space<semaphore_mem>>
      %dma_wait3A_357 = tpu.memref_squeeze %dma_wait3A_356 : memref<1x!tpu.dma_semaphore, #tpu.memory_space<semaphore_mem>> -> memref<!tpu.dma_semaphore, #tpu.memory_space<semaphore_mem>>
      tpu.wait_indirect_dma semaphore(%dma_wait3A_357 : memref<!tpu.dma_semaphore, #tpu.memory_space<semaphore_mem>>) src(%dma_wait3A_355 : memref<1000000x64xf32, #tpu.memory_space<hbm>>) dst(%dma_wait3A_351 : memref<128x64xf32, #tpu.memory_space<vmem>>)
      %mul3A_358 = arith.constant 128 : i32
      %mul3A_359 = arith.muli %add3A_343, %mul3A_358 : i32
      %add3A_360 = arith.addi %mul3A_2, %mul3A_359 : i32
      %dma_start3A_361 = arith.constant 2 : i32
      %dma_start3A_362 = arith.constant 2 : i32
      %dma_start3A_363 = arith.constant 0 : i32
      %dma_start3A_364 = arith.constant 0 : i32
      %dma_start3A_365 = tpu.memref_slice %arg6[%dma_start3A_361, %dma_start3A_363, %dma_start3A_364] : memref<8x128x64xf32, #tpu.memory_space<vmem>> -> memref<1x128x64xf32, #tpu.memory_space<vmem>>
      %dma_start3A_366 = tpu.memref_squeeze %dma_start3A_365 : memref<1x128x64xf32, #tpu.memory_space<vmem>> -> memref<128x64xf32, #tpu.memory_space<vmem>>
      %dma_start3A_367 = arith.constant 0 : i32
      %dma_start3A_368 = tpu.memref_slice %arg4[%add3A_360, %dma_start3A_367] : memref<425984x64xf32, #tpu.memory_space<hbm>> -> memref<128x64xf32, #tpu.memory_space<hbm>>
      %dma_start3A_369 = tpu.memref_slice %arg8[%dma_start3A_362] : memref<8x!tpu.dma_semaphore, #tpu.memory_space<semaphore_mem>> -> memref<1x!tpu.dma_semaphore, #tpu.memory_space<semaphore_mem>>
      %dma_start3A_370 = tpu.memref_squeeze %dma_start3A_369 : memref<1x!tpu.dma_semaphore, #tpu.memory_space<semaphore_mem>> -> memref<!tpu.dma_semaphore, #tpu.memory_space<semaphore_mem>>
      %dma_start3A_371 = arith.constant 0 : i32
      %dma_start3A_372 = tpu.memref_slice %arg4[%add3A_360, %dma_start3A_371] : memref<425984x64xf32, #tpu.memory_space<hbm>> -> memref<128x64xf32, #tpu.memory_space<hbm>>
      %dma_start3A_373 = arith.constant 0 : i32
      %dma_start3A_374 = arith.constant 0 : i32
      %dma_start3A_375 = tpu.memref_slice %arg6[%dma_start3A_361, %dma_start3A_373, %dma_start3A_374] : memref<8x128x64xf32, #tpu.memory_space<vmem>> -> memref<1x128x64xf32, #tpu.memory_space<vmem>>
      %dma_start3A_376 = tpu.memref_squeeze %dma_start3A_375 : memref<1x128x64xf32, #tpu.memory_space<vmem>> -> memref<128x64xf32, #tpu.memory_space<vmem>>
      tpu.enqueue_dma source(%dma_start3A_376 : memref<128x64xf32, #tpu.memory_space<vmem>>) target(%dma_start3A_372 : memref<128x64xf32, #tpu.memory_space<hbm>>) target_semaphore(%dma_start3A_370 : memref<!tpu.dma_semaphore, #tpu.memory_space<semaphore_mem>>)
      %lt3A_377 = arith.constant 12 : i32
      %lt3A_378 = arith.cmpi slt, %scan3A_258, %lt3A_377 : i32
      %convert_element_type3A_379 = arith.extui %lt3A_378 : i1 to i32
      %cond3A_380 = arith.constant 0 : i32
      %cond3A_381 = arith.cmpi ne, %convert_element_type3A_379, %cond3A_380 : i32
      scf.if %cond3A_381 {
        %mul3A_592 = arith.constant 128 : i32
        %mul3A_593 = arith.muli %add3A_343, %mul3A_592 : i32
        %add3A_594 = arith.addi %mul3A_2, %mul3A_593 : i32
        %dma_wait3A_595 = arith.constant 2 : i32
        %dma_wait3A_596 = arith.constant 2 : i32
        %dma_wait3A_597 = arith.constant 0 : i32
        %dma_wait3A_598 = arith.constant 0 : i32
        %dma_wait3A_599 = tpu.memref_slice %arg6[%dma_wait3A_595, %dma_wait3A_597, %dma_wait3A_598] : memref<8x128x64xf32, #tpu.memory_space<vmem>> -> memref<1x128x64xf32, #tpu.memory_space<vmem>>
        %dma_wait3A_600 = tpu.memref_squeeze %dma_wait3A_599 : memref<1x128x64xf32, #tpu.memory_space<vmem>> -> memref<128x64xf32, #tpu.memory_space<vmem>>
        %dma_wait3A_601 = arith.constant 0 : i32
        %dma_wait3A_602 = tpu.memref_slice %arg4[%add3A_594, %dma_wait3A_601] : memref<425984x64xf32, #tpu.memory_space<hbm>> -> memref<128x64xf32, #tpu.memory_space<hbm>>
        %dma_wait3A_603 = tpu.memref_slice %arg8[%dma_wait3A_596] : memref<8x!tpu.dma_semaphore, #tpu.memory_space<semaphore_mem>> -> memref<1x!tpu.dma_semaphore, #tpu.memory_space<semaphore_mem>>
        %dma_wait3A_604 = tpu.memref_squeeze %dma_wait3A_603 : memref<1x!tpu.dma_semaphore, #tpu.memory_space<semaphore_mem>> -> memref<!tpu.dma_semaphore, #tpu.memory_space<semaphore_mem>>
        %dma_wait3A_605 = arith.constant 0 : i32
        %dma_wait3A_606 = tpu.memref_slice %arg4[%add3A_594, %dma_wait3A_605] : memref<425984x64xf32, #tpu.memory_space<hbm>> -> memref<128x64xf32, #tpu.memory_space<hbm>>
        %dma_wait3A_607 = arith.constant 0 : i32
        %dma_wait3A_608 = arith.constant 0 : i32
        %dma_wait3A_609 = tpu.memref_slice %arg6[%dma_wait3A_595, %dma_wait3A_607, %dma_wait3A_608] : memref<8x128x64xf32, #tpu.memory_space<vmem>> -> memref<1x128x64xf32, #tpu.memory_space<vmem>>
        %dma_wait3A_610 = tpu.memref_squeeze %dma_wait3A_609 : memref<1x128x64xf32, #tpu.memory_space<vmem>> -> memref<128x64xf32, #tpu.memory_space<vmem>>
        tpu.wait_dma2 semaphore(%dma_wait3A_604 : memref<!tpu.dma_semaphore, #tpu.memory_space<semaphore_mem>>) src(%dma_wait3A_610 : memref<128x64xf32, #tpu.memory_space<vmem>>) dst(%dma_wait3A_606 : memref<128x64xf32, #tpu.memory_space<hbm>>)
        %add3A_611 = arith.constant 8 : i32
        %add3A_612 = arith.addi %add3A_343, %add3A_611 : i32
        %mul3A_613 = arith.constant 128 : i32
        %mul3A_614 = arith.muli %add3A_612, %mul3A_613 : i32
        %dma_start3A_615 = arith.constant 2 : i32
        %dma_start3A_616 = arith.constant 2 : i32
        %dma_start3A_617 = arith.constant 0 : i32
        %dma_start3A_618 = arith.constant 0 : i32
        %dma_start3A_619 = tpu.memref_slice %arg6[%dma_start3A_615, %dma_start3A_617, %dma_start3A_618] : memref<8x128x64xf32, #tpu.memory_space<vmem>> -> memref<1x128x64xf32, #tpu.memory_space<vmem>>
        %dma_start3A_620 = tpu.memref_squeeze %dma_start3A_619 : memref<1x128x64xf32, #tpu.memory_space<vmem>> -> memref<128x64xf32, #tpu.memory_space<vmem>>
        %dma_start3A_621 = tpu.memref_slice %arg5[%mul3A_614] : memref<13312xi32, #tpu.memory_space<vmem>> -> memref<128xi32, #tpu.memory_space<vmem>>
        %dma_start3A_622 = arith.constant 0 : i32
        %dma_start3A_623 = arith.constant 0 : i32
        %dma_start3A_624 = tpu.memref_slice %arg3[%dma_start3A_622, %dma_start3A_623] : memref<1000000x64xf32, #tpu.memory_space<hbm>> -> memref<1000000x64xf32, #tpu.memory_space<hbm>>
        %dma_start3A_625 = tpu.memref_slice %arg7[%dma_start3A_616] : memref<8x!tpu.dma_semaphore, #tpu.memory_space<semaphore_mem>> -> memref<1x!tpu.dma_semaphore, #tpu.memory_space<semaphore_mem>>
        %dma_start3A_626 = tpu.memref_squeeze %dma_start3A_625 : memref<1x!tpu.dma_semaphore, #tpu.memory_space<semaphore_mem>> -> memref<!tpu.dma_semaphore, #tpu.memory_space<semaphore_mem>>
        tpu.enqueue_indirect_dma source(%dma_start3A_624 : memref<1000000x64xf32, #tpu.memory_space<hbm>>) target(%dma_start3A_620 : memref<128x64xf32, #tpu.memory_space<vmem>>) offsets(%dma_start3A_621 : memref<128xi32, #tpu.memory_space<vmem>>) semaphore(%dma_start3A_626 : memref<!tpu.dma_semaphore, #tpu.memory_space<semaphore_mem>>)
      } else {
      }
      %mul3A_382 = arith.constant 8 : i32
      %mul3A_383 = arith.muli %scan3A_258, %mul3A_382 : i32
      %add3A_384 = arith.constant 3 : i32
      %add3A_385 = arith.addi %mul3A_383, %add3A_384 : i32
      %mul3A_386 = arith.constant 128 : i32
      %mul3A_387 = arith.muli %add3A_385, %mul3A_386 : i32
      %dma_wait3A_388 = arith.constant 3 : i32
      %dma_wait3A_389 = arith.constant 3 : i32
      %dma_wait3A_390 = arith.constant 0 : i32
      %dma_wait3A_391 = arith.constant 0 : i32
      %dma_wait3A_392 = tpu.memref_slice %arg6[%dma_wait3A_388, %dma_wait3A_390, %dma_wait3A_391] : memref<8x128x64xf32, #tpu.memory_space<vmem>> -> memref<1x128x64xf32, #tpu.memory_space<vmem>>
      %dma_wait3A_393 = tpu.memref_squeeze %dma_wait3A_392 : memref<1x128x64xf32, #tpu.memory_space<vmem>> -> memref<128x64xf32, #tpu.memory_space<vmem>>
      %dma_wait3A_394 = tpu.memref_slice %arg5[%mul3A_387] : memref<13312xi32, #tpu.memory_space<vmem>> -> memref<128xi32, #tpu.memory_space<vmem>>
      %dma_wait3A_395 = arith.constant 0 : i32
      %dma_wait3A_396 = arith.constant 0 : i32
      %dma_wait3A_397 = tpu.memref_slice %arg3[%dma_wait3A_395, %dma_wait3A_396] : memref<1000000x64xf32, #tpu.memory_space<hbm>> -> memref<1000000x64xf32, #tpu.memory_space<hbm>>
      %dma_wait3A_398 = tpu.memref_slice %arg7[%dma_wait3A_389] : memref<8x!tpu.dma_semaphore, #tpu.memory_space<semaphore_mem>> -> memref<1x!tpu.dma_semaphore, #tpu.memory_space<semaphore_mem>>
      %dma_wait3A_399 = tpu.memref_squeeze %dma_wait3A_398 : memref<1x!tpu.dma_semaphore, #tpu.memory_space<semaphore_mem>> -> memref<!tpu.dma_semaphore, #tpu.memory_space<semaphore_mem>>
      tpu.wait_indirect_dma semaphore(%dma_wait3A_399 : memref<!tpu.dma_semaphore, #tpu.memory_space<semaphore_mem>>) src(%dma_wait3A_397 : memref<1000000x64xf32, #tpu.memory_space<hbm>>) dst(%dma_wait3A_393 : memref<128x64xf32, #tpu.memory_space<vmem>>)
      %mul3A_400 = arith.constant 128 : i32
      %mul3A_401 = arith.muli %add3A_385, %mul3A_400 : i32
      %add3A_402 = arith.addi %mul3A_2, %mul3A_401 : i32
      %dma_start3A_403 = arith.constant 3 : i32
      %dma_start3A_404 = arith.constant 3 : i32
      %dma_start3A_405 = arith.constant 0 : i32
      %dma_start3A_406 = arith.constant 0 : i32
      %dma_start3A_407 = tpu.memref_slice %arg6[%dma_start3A_403, %dma_start3A_405, %dma_start3A_406] : memref<8x128x64xf32, #tpu.memory_space<vmem>> -> memref<1x128x64xf32, #tpu.memory_space<vmem>>
      %dma_start3A_408 = tpu.memref_squeeze %dma_start3A_407 : memref<1x128x64xf32, #tpu.memory_space<vmem>> -> memref<128x64xf32, #tpu.memory_space<vmem>>
      %dma_start3A_409 = arith.constant 0 : i32
      %dma_start3A_410 = tpu.memref_slice %arg4[%add3A_402, %dma_start3A_409] : memref<425984x64xf32, #tpu.memory_space<hbm>> -> memref<128x64xf32, #tpu.memory_space<hbm>>
      %dma_start3A_411 = tpu.memref_slice %arg8[%dma_start3A_404] : memref<8x!tpu.dma_semaphore, #tpu.memory_space<semaphore_mem>> -> memref<1x!tpu.dma_semaphore, #tpu.memory_space<semaphore_mem>>
      %dma_start3A_412 = tpu.memref_squeeze %dma_start3A_411 : memref<1x!tpu.dma_semaphore, #tpu.memory_space<semaphore_mem>> -> memref<!tpu.dma_semaphore, #tpu.memory_space<semaphore_mem>>
      %dma_start3A_413 = arith.constant 0 : i32
      %dma_start3A_414 = tpu.memref_slice %arg4[%add3A_402, %dma_start3A_413] : memref<425984x64xf32, #tpu.memory_space<hbm>> -> memref<128x64xf32, #tpu.memory_space<hbm>>
      %dma_start3A_415 = arith.constant 0 : i32
      %dma_start3A_416 = arith.constant 0 : i32
      %dma_start3A_417 = tpu.memref_slice %arg6[%dma_start3A_403, %dma_start3A_415, %dma_start3A_416] : memref<8x128x64xf32, #tpu.memory_space<vmem>> -> memref<1x128x64xf32, #tpu.memory_space<vmem>>
      %dma_start3A_418 = tpu.memref_squeeze %dma_start3A_417 : memref<1x128x64xf32, #tpu.memory_space<vmem>> -> memref<128x64xf32, #tpu.memory_space<vmem>>
      tpu.enqueue_dma source(%dma_start3A_418 : memref<128x64xf32, #tpu.memory_space<vmem>>) target(%dma_start3A_414 : memref<128x64xf32, #tpu.memory_space<hbm>>) target_semaphore(%dma_start3A_412 : memref<!tpu.dma_semaphore, #tpu.memory_space<semaphore_mem>>)
      %lt3A_419 = arith.constant 12 : i32
      %lt3A_420 = arith.cmpi slt, %scan3A_258, %lt3A_419 : i32
      %convert_element_type3A_421 = arith.extui %lt3A_420 : i1 to i32
      %cond3A_422 = arith.constant 0 : i32
      %cond3A_423 = arith.cmpi ne, %convert_element_type3A_421, %cond3A_422 : i32
      scf.if %cond3A_423 {
        %mul3A_592 = arith.constant 128 : i32
        %mul3A_593 = arith.muli %add3A_385, %mul3A_592 : i32
        %add3A_594 = arith.addi %mul3A_2, %mul3A_593 : i32
        %dma_wait3A_595 = arith.constant 3 : i32
        %dma_wait3A_596 = arith.constant 3 : i32
        %dma_wait3A_597 = arith.constant 0 : i32
        %dma_wait3A_598 = arith.constant 0 : i32
        %dma_wait3A_599 = tpu.memref_slice %arg6[%dma_wait3A_595, %dma_wait3A_597, %dma_wait3A_598] : memref<8x128x64xf32, #tpu.memory_space<vmem>> -> memref<1x128x64xf32, #tpu.memory_space<vmem>>
        %dma_wait3A_600 = tpu.memref_squeeze %dma_wait3A_599 : memref<1x128x64xf32, #tpu.memory_space<vmem>> -> memref<128x64xf32, #tpu.memory_space<vmem>>
        %dma_wait3A_601 = arith.constant 0 : i32
        %dma_wait3A_602 = tpu.memref_slice %arg4[%add3A_594, %dma_wait3A_601] : memref<425984x64xf32, #tpu.memory_space<hbm>> -> memref<128x64xf32, #tpu.memory_space<hbm>>
        %dma_wait3A_603 = tpu.memref_slice %arg8[%dma_wait3A_596] : memref<8x!tpu.dma_semaphore, #tpu.memory_space<semaphore_mem>> -> memref<1x!tpu.dma_semaphore, #tpu.memory_space<semaphore_mem>>
        %dma_wait3A_604 = tpu.memref_squeeze %dma_wait3A_603 : memref<1x!tpu.dma_semaphore, #tpu.memory_space<semaphore_mem>> -> memref<!tpu.dma_semaphore, #tpu.memory_space<semaphore_mem>>
        %dma_wait3A_605 = arith.constant 0 : i32
        %dma_wait3A_606 = tpu.memref_slice %arg4[%add3A_594, %dma_wait3A_605] : memref<425984x64xf32, #tpu.memory_space<hbm>> -> memref<128x64xf32, #tpu.memory_space<hbm>>
        %dma_wait3A_607 = arith.constant 0 : i32
        %dma_wait3A_608 = arith.constant 0 : i32
        %dma_wait3A_609 = tpu.memref_slice %arg6[%dma_wait3A_595, %dma_wait3A_607, %dma_wait3A_608] : memref<8x128x64xf32, #tpu.memory_space<vmem>> -> memref<1x128x64xf32, #tpu.memory_space<vmem>>
        %dma_wait3A_610 = tpu.memref_squeeze %dma_wait3A_609 : memref<1x128x64xf32, #tpu.memory_space<vmem>> -> memref<128x64xf32, #tpu.memory_space<vmem>>
        tpu.wait_dma2 semaphore(%dma_wait3A_604 : memref<!tpu.dma_semaphore, #tpu.memory_space<semaphore_mem>>) src(%dma_wait3A_610 : memref<128x64xf32, #tpu.memory_space<vmem>>) dst(%dma_wait3A_606 : memref<128x64xf32, #tpu.memory_space<hbm>>)
        %add3A_611 = arith.constant 8 : i32
        %add3A_612 = arith.addi %add3A_385, %add3A_611 : i32
        %mul3A_613 = arith.constant 128 : i32
        %mul3A_614 = arith.muli %add3A_612, %mul3A_613 : i32
        %dma_start3A_615 = arith.constant 3 : i32
        %dma_start3A_616 = arith.constant 3 : i32
        %dma_start3A_617 = arith.constant 0 : i32
        %dma_start3A_618 = arith.constant 0 : i32
        %dma_start3A_619 = tpu.memref_slice %arg6[%dma_start3A_615, %dma_start3A_617, %dma_start3A_618] : memref<8x128x64xf32, #tpu.memory_space<vmem>> -> memref<1x128x64xf32, #tpu.memory_space<vmem>>
        %dma_start3A_620 = tpu.memref_squeeze %dma_start3A_619 : memref<1x128x64xf32, #tpu.memory_space<vmem>> -> memref<128x64xf32, #tpu.memory_space<vmem>>
        %dma_start3A_621 = tpu.memref_slice %arg5[%mul3A_614] : memref<13312xi32, #tpu.memory_space<vmem>> -> memref<128xi32, #tpu.memory_space<vmem>>
        %dma_start3A_622 = arith.constant 0 : i32
        %dma_start3A_623 = arith.constant 0 : i32
        %dma_start3A_624 = tpu.memref_slice %arg3[%dma_start3A_622, %dma_start3A_623] : memref<1000000x64xf32, #tpu.memory_space<hbm>> -> memref<1000000x64xf32, #tpu.memory_space<hbm>>
        %dma_start3A_625 = tpu.memref_slice %arg7[%dma_start3A_616] : memref<8x!tpu.dma_semaphore, #tpu.memory_space<semaphore_mem>> -> memref<1x!tpu.dma_semaphore, #tpu.memory_space<semaphore_mem>>
        %dma_start3A_626 = tpu.memref_squeeze %dma_start3A_625 : memref<1x!tpu.dma_semaphore, #tpu.memory_space<semaphore_mem>> -> memref<!tpu.dma_semaphore, #tpu.memory_space<semaphore_mem>>
        tpu.enqueue_indirect_dma source(%dma_start3A_624 : memref<1000000x64xf32, #tpu.memory_space<hbm>>) target(%dma_start3A_620 : memref<128x64xf32, #tpu.memory_space<vmem>>) offsets(%dma_start3A_621 : memref<128xi32, #tpu.memory_space<vmem>>) semaphore(%dma_start3A_626 : memref<!tpu.dma_semaphore, #tpu.memory_space<semaphore_mem>>)
      } else {
      }
      %mul3A_424 = arith.constant 8 : i32
      %mul3A_425 = arith.muli %scan3A_258, %mul3A_424 : i32
      %add3A_426 = arith.constant 4 : i32
      %add3A_427 = arith.addi %mul3A_425, %add3A_426 : i32
      %mul3A_428 = arith.constant 128 : i32
      %mul3A_429 = arith.muli %add3A_427, %mul3A_428 : i32
      %dma_wait3A_430 = arith.constant 4 : i32
      %dma_wait3A_431 = arith.constant 4 : i32
      %dma_wait3A_432 = arith.constant 0 : i32
      %dma_wait3A_433 = arith.constant 0 : i32
      %dma_wait3A_434 = tpu.memref_slice %arg6[%dma_wait3A_430, %dma_wait3A_432, %dma_wait3A_433] : memref<8x128x64xf32, #tpu.memory_space<vmem>> -> memref<1x128x64xf32, #tpu.memory_space<vmem>>
      %dma_wait3A_435 = tpu.memref_squeeze %dma_wait3A_434 : memref<1x128x64xf32, #tpu.memory_space<vmem>> -> memref<128x64xf32, #tpu.memory_space<vmem>>
      %dma_wait3A_436 = tpu.memref_slice %arg5[%mul3A_429] : memref<13312xi32, #tpu.memory_space<vmem>> -> memref<128xi32, #tpu.memory_space<vmem>>
      %dma_wait3A_437 = arith.constant 0 : i32
      %dma_wait3A_438 = arith.constant 0 : i32
      %dma_wait3A_439 = tpu.memref_slice %arg3[%dma_wait3A_437, %dma_wait3A_438] : memref<1000000x64xf32, #tpu.memory_space<hbm>> -> memref<1000000x64xf32, #tpu.memory_space<hbm>>
      %dma_wait3A_440 = tpu.memref_slice %arg7[%dma_wait3A_431] : memref<8x!tpu.dma_semaphore, #tpu.memory_space<semaphore_mem>> -> memref<1x!tpu.dma_semaphore, #tpu.memory_space<semaphore_mem>>
      %dma_wait3A_441 = tpu.memref_squeeze %dma_wait3A_440 : memref<1x!tpu.dma_semaphore, #tpu.memory_space<semaphore_mem>> -> memref<!tpu.dma_semaphore, #tpu.memory_space<semaphore_mem>>
      tpu.wait_indirect_dma semaphore(%dma_wait3A_441 : memref<!tpu.dma_semaphore, #tpu.memory_space<semaphore_mem>>) src(%dma_wait3A_439 : memref<1000000x64xf32, #tpu.memory_space<hbm>>) dst(%dma_wait3A_435 : memref<128x64xf32, #tpu.memory_space<vmem>>)
      %mul3A_442 = arith.constant 128 : i32
      %mul3A_443 = arith.muli %add3A_427, %mul3A_442 : i32
      %add3A_444 = arith.addi %mul3A_2, %mul3A_443 : i32
      %dma_start3A_445 = arith.constant 4 : i32
      %dma_start3A_446 = arith.constant 4 : i32
      %dma_start3A_447 = arith.constant 0 : i32
      %dma_start3A_448 = arith.constant 0 : i32
      %dma_start3A_449 = tpu.memref_slice %arg6[%dma_start3A_445, %dma_start3A_447, %dma_start3A_448] : memref<8x128x64xf32, #tpu.memory_space<vmem>> -> memref<1x128x64xf32, #tpu.memory_space<vmem>>
      %dma_start3A_450 = tpu.memref_squeeze %dma_start3A_449 : memref<1x128x64xf32, #tpu.memory_space<vmem>> -> memref<128x64xf32, #tpu.memory_space<vmem>>
      %dma_start3A_451 = arith.constant 0 : i32
      %dma_start3A_452 = tpu.memref_slice %arg4[%add3A_444, %dma_start3A_451] : memref<425984x64xf32, #tpu.memory_space<hbm>> -> memref<128x64xf32, #tpu.memory_space<hbm>>
      %dma_start3A_453 = tpu.memref_slice %arg8[%dma_start3A_446] : memref<8x!tpu.dma_semaphore, #tpu.memory_space<semaphore_mem>> -> memref<1x!tpu.dma_semaphore, #tpu.memory_space<semaphore_mem>>
      %dma_start3A_454 = tpu.memref_squeeze %dma_start3A_453 : memref<1x!tpu.dma_semaphore, #tpu.memory_space<semaphore_mem>> -> memref<!tpu.dma_semaphore, #tpu.memory_space<semaphore_mem>>
      %dma_start3A_455 = arith.constant 0 : i32
      %dma_start3A_456 = tpu.memref_slice %arg4[%add3A_444, %dma_start3A_455] : memref<425984x64xf32, #tpu.memory_space<hbm>> -> memref<128x64xf32, #tpu.memory_space<hbm>>
      %dma_start3A_457 = arith.constant 0 : i32
      %dma_start3A_458 = arith.constant 0 : i32
      %dma_start3A_459 = tpu.memref_slice %arg6[%dma_start3A_445, %dma_start3A_457, %dma_start3A_458] : memref<8x128x64xf32, #tpu.memory_space<vmem>> -> memref<1x128x64xf32, #tpu.memory_space<vmem>>
      %dma_start3A_460 = tpu.memref_squeeze %dma_start3A_459 : memref<1x128x64xf32, #tpu.memory_space<vmem>> -> memref<128x64xf32, #tpu.memory_space<vmem>>
      tpu.enqueue_dma source(%dma_start3A_460 : memref<128x64xf32, #tpu.memory_space<vmem>>) target(%dma_start3A_456 : memref<128x64xf32, #tpu.memory_space<hbm>>) target_semaphore(%dma_start3A_454 : memref<!tpu.dma_semaphore, #tpu.memory_space<semaphore_mem>>)
      %lt3A_461 = arith.constant 12 : i32
      %lt3A_462 = arith.cmpi slt, %scan3A_258, %lt3A_461 : i32
      %convert_element_type3A_463 = arith.extui %lt3A_462 : i1 to i32
      %cond3A_464 = arith.constant 0 : i32
      %cond3A_465 = arith.cmpi ne, %convert_element_type3A_463, %cond3A_464 : i32
      scf.if %cond3A_465 {
        %mul3A_592 = arith.constant 128 : i32
        %mul3A_593 = arith.muli %add3A_427, %mul3A_592 : i32
        %add3A_594 = arith.addi %mul3A_2, %mul3A_593 : i32
        %dma_wait3A_595 = arith.constant 4 : i32
        %dma_wait3A_596 = arith.constant 4 : i32
        %dma_wait3A_597 = arith.constant 0 : i32
        %dma_wait3A_598 = arith.constant 0 : i32
        %dma_wait3A_599 = tpu.memref_slice %arg6[%dma_wait3A_595, %dma_wait3A_597, %dma_wait3A_598] : memref<8x128x64xf32, #tpu.memory_space<vmem>> -> memref<1x128x64xf32, #tpu.memory_space<vmem>>
        %dma_wait3A_600 = tpu.memref_squeeze %dma_wait3A_599 : memref<1x128x64xf32, #tpu.memory_space<vmem>> -> memref<128x64xf32, #tpu.memory_space<vmem>>
        %dma_wait3A_601 = arith.constant 0 : i32
        %dma_wait3A_602 = tpu.memref_slice %arg4[%add3A_594, %dma_wait3A_601] : memref<425984x64xf32, #tpu.memory_space<hbm>> -> memref<128x64xf32, #tpu.memory_space<hbm>>
        %dma_wait3A_603 = tpu.memref_slice %arg8[%dma_wait3A_596] : memref<8x!tpu.dma_semaphore, #tpu.memory_space<semaphore_mem>> -> memref<1x!tpu.dma_semaphore, #tpu.memory_space<semaphore_mem>>
        %dma_wait3A_604 = tpu.memref_squeeze %dma_wait3A_603 : memref<1x!tpu.dma_semaphore, #tpu.memory_space<semaphore_mem>> -> memref<!tpu.dma_semaphore, #tpu.memory_space<semaphore_mem>>
        %dma_wait3A_605 = arith.constant 0 : i32
        %dma_wait3A_606 = tpu.memref_slice %arg4[%add3A_594, %dma_wait3A_605] : memref<425984x64xf32, #tpu.memory_space<hbm>> -> memref<128x64xf32, #tpu.memory_space<hbm>>
        %dma_wait3A_607 = arith.constant 0 : i32
        %dma_wait3A_608 = arith.constant 0 : i32
        %dma_wait3A_609 = tpu.memref_slice %arg6[%dma_wait3A_595, %dma_wait3A_607, %dma_wait3A_608] : memref<8x128x64xf32, #tpu.memory_space<vmem>> -> memref<1x128x64xf32, #tpu.memory_space<vmem>>
        %dma_wait3A_610 = tpu.memref_squeeze %dma_wait3A_609 : memref<1x128x64xf32, #tpu.memory_space<vmem>> -> memref<128x64xf32, #tpu.memory_space<vmem>>
        tpu.wait_dma2 semaphore(%dma_wait3A_604 : memref<!tpu.dma_semaphore, #tpu.memory_space<semaphore_mem>>) src(%dma_wait3A_610 : memref<128x64xf32, #tpu.memory_space<vmem>>) dst(%dma_wait3A_606 : memref<128x64xf32, #tpu.memory_space<hbm>>)
        %add3A_611 = arith.constant 8 : i32
        %add3A_612 = arith.addi %add3A_427, %add3A_611 : i32
        %mul3A_613 = arith.constant 128 : i32
        %mul3A_614 = arith.muli %add3A_612, %mul3A_613 : i32
        %dma_start3A_615 = arith.constant 4 : i32
        %dma_start3A_616 = arith.constant 4 : i32
        %dma_start3A_617 = arith.constant 0 : i32
        %dma_start3A_618 = arith.constant 0 : i32
        %dma_start3A_619 = tpu.memref_slice %arg6[%dma_start3A_615, %dma_start3A_617, %dma_start3A_618] : memref<8x128x64xf32, #tpu.memory_space<vmem>> -> memref<1x128x64xf32, #tpu.memory_space<vmem>>
        %dma_start3A_620 = tpu.memref_squeeze %dma_start3A_619 : memref<1x128x64xf32, #tpu.memory_space<vmem>> -> memref<128x64xf32, #tpu.memory_space<vmem>>
        %dma_start3A_621 = tpu.memref_slice %arg5[%mul3A_614] : memref<13312xi32, #tpu.memory_space<vmem>> -> memref<128xi32, #tpu.memory_space<vmem>>
        %dma_start3A_622 = arith.constant 0 : i32
        %dma_start3A_623 = arith.constant 0 : i32
        %dma_start3A_624 = tpu.memref_slice %arg3[%dma_start3A_622, %dma_start3A_623] : memref<1000000x64xf32, #tpu.memory_space<hbm>> -> memref<1000000x64xf32, #tpu.memory_space<hbm>>
        %dma_start3A_625 = tpu.memref_slice %arg7[%dma_start3A_616] : memref<8x!tpu.dma_semaphore, #tpu.memory_space<semaphore_mem>> -> memref<1x!tpu.dma_semaphore, #tpu.memory_space<semaphore_mem>>
        %dma_start3A_626 = tpu.memref_squeeze %dma_start3A_625 : memref<1x!tpu.dma_semaphore, #tpu.memory_space<semaphore_mem>> -> memref<!tpu.dma_semaphore, #tpu.memory_space<semaphore_mem>>
        tpu.enqueue_indirect_dma source(%dma_start3A_624 : memref<1000000x64xf32, #tpu.memory_space<hbm>>) target(%dma_start3A_620 : memref<128x64xf32, #tpu.memory_space<vmem>>) offsets(%dma_start3A_621 : memref<128xi32, #tpu.memory_space<vmem>>) semaphore(%dma_start3A_626 : memref<!tpu.dma_semaphore, #tpu.memory_space<semaphore_mem>>)
      } else {
      }
      %mul3A_466 = arith.constant 8 : i32
      %mul3A_467 = arith.muli %scan3A_258, %mul3A_466 : i32
      %add3A_468 = arith.constant 5 : i32
      %add3A_469 = arith.addi %mul3A_467, %add3A_468 : i32
      %mul3A_470 = arith.constant 128 : i32
      %mul3A_471 = arith.muli %add3A_469, %mul3A_470 : i32
      %dma_wait3A_472 = arith.constant 5 : i32
      %dma_wait3A_473 = arith.constant 5 : i32
      %dma_wait3A_474 = arith.constant 0 : i32
      %dma_wait3A_475 = arith.constant 0 : i32
      %dma_wait3A_476 = tpu.memref_slice %arg6[%dma_wait3A_472, %dma_wait3A_474, %dma_wait3A_475] : memref<8x128x64xf32, #tpu.memory_space<vmem>> -> memref<1x128x64xf32, #tpu.memory_space<vmem>>
      %dma_wait3A_477 = tpu.memref_squeeze %dma_wait3A_476 : memref<1x128x64xf32, #tpu.memory_space<vmem>> -> memref<128x64xf32, #tpu.memory_space<vmem>>
      %dma_wait3A_478 = tpu.memref_slice %arg5[%mul3A_471] : memref<13312xi32, #tpu.memory_space<vmem>> -> memref<128xi32, #tpu.memory_space<vmem>>
      %dma_wait3A_479 = arith.constant 0 : i32
      %dma_wait3A_480 = arith.constant 0 : i32
      %dma_wait3A_481 = tpu.memref_slice %arg3[%dma_wait3A_479, %dma_wait3A_480] : memref<1000000x64xf32, #tpu.memory_space<hbm>> -> memref<1000000x64xf32, #tpu.memory_space<hbm>>
      %dma_wait3A_482 = tpu.memref_slice %arg7[%dma_wait3A_473] : memref<8x!tpu.dma_semaphore, #tpu.memory_space<semaphore_mem>> -> memref<1x!tpu.dma_semaphore, #tpu.memory_space<semaphore_mem>>
      %dma_wait3A_483 = tpu.memref_squeeze %dma_wait3A_482 : memref<1x!tpu.dma_semaphore, #tpu.memory_space<semaphore_mem>> -> memref<!tpu.dma_semaphore, #tpu.memory_space<semaphore_mem>>
      tpu.wait_indirect_dma semaphore(%dma_wait3A_483 : memref<!tpu.dma_semaphore, #tpu.memory_space<semaphore_mem>>) src(%dma_wait3A_481 : memref<1000000x64xf32, #tpu.memory_space<hbm>>) dst(%dma_wait3A_477 : memref<128x64xf32, #tpu.memory_space<vmem>>)
      %mul3A_484 = arith.constant 128 : i32
      %mul3A_485 = arith.muli %add3A_469, %mul3A_484 : i32
      %add3A_486 = arith.addi %mul3A_2, %mul3A_485 : i32
      %dma_start3A_487 = arith.constant 5 : i32
      %dma_start3A_488 = arith.constant 5 : i32
      %dma_start3A_489 = arith.constant 0 : i32
      %dma_start3A_490 = arith.constant 0 : i32
      %dma_start3A_491 = tpu.memref_slice %arg6[%dma_start3A_487, %dma_start3A_489, %dma_start3A_490] : memref<8x128x64xf32, #tpu.memory_space<vmem>> -> memref<1x128x64xf32, #tpu.memory_space<vmem>>
      %dma_start3A_492 = tpu.memref_squeeze %dma_start3A_491 : memref<1x128x64xf32, #tpu.memory_space<vmem>> -> memref<128x64xf32, #tpu.memory_space<vmem>>
      %dma_start3A_493 = arith.constant 0 : i32
      %dma_start3A_494 = tpu.memref_slice %arg4[%add3A_486, %dma_start3A_493] : memref<425984x64xf32, #tpu.memory_space<hbm>> -> memref<128x64xf32, #tpu.memory_space<hbm>>
      %dma_start3A_495 = tpu.memref_slice %arg8[%dma_start3A_488] : memref<8x!tpu.dma_semaphore, #tpu.memory_space<semaphore_mem>> -> memref<1x!tpu.dma_semaphore, #tpu.memory_space<semaphore_mem>>
      %dma_start3A_496 = tpu.memref_squeeze %dma_start3A_495 : memref<1x!tpu.dma_semaphore, #tpu.memory_space<semaphore_mem>> -> memref<!tpu.dma_semaphore, #tpu.memory_space<semaphore_mem>>
      %dma_start3A_497 = arith.constant 0 : i32
      %dma_start3A_498 = tpu.memref_slice %arg4[%add3A_486, %dma_start3A_497] : memref<425984x64xf32, #tpu.memory_space<hbm>> -> memref<128x64xf32, #tpu.memory_space<hbm>>
      %dma_start3A_499 = arith.constant 0 : i32
      %dma_start3A_500 = arith.constant 0 : i32
      %dma_start3A_501 = tpu.memref_slice %arg6[%dma_start3A_487, %dma_start3A_499, %dma_start3A_500] : memref<8x128x64xf32, #tpu.memory_space<vmem>> -> memref<1x128x64xf32, #tpu.memory_space<vmem>>
      %dma_start3A_502 = tpu.memref_squeeze %dma_start3A_501 : memref<1x128x64xf32, #tpu.memory_space<vmem>> -> memref<128x64xf32, #tpu.memory_space<vmem>>
      tpu.enqueue_dma source(%dma_start3A_502 : memref<128x64xf32, #tpu.memory_space<vmem>>) target(%dma_start3A_498 : memref<128x64xf32, #tpu.memory_space<hbm>>) target_semaphore(%dma_start3A_496 : memref<!tpu.dma_semaphore, #tpu.memory_space<semaphore_mem>>)
      %lt3A_503 = arith.constant 12 : i32
      %lt3A_504 = arith.cmpi slt, %scan3A_258, %lt3A_503 : i32
      %convert_element_type3A_505 = arith.extui %lt3A_504 : i1 to i32
      %cond3A_506 = arith.constant 0 : i32
      %cond3A_507 = arith.cmpi ne, %convert_element_type3A_505, %cond3A_506 : i32
      scf.if %cond3A_507 {
        %mul3A_592 = arith.constant 128 : i32
        %mul3A_593 = arith.muli %add3A_469, %mul3A_592 : i32
        %add3A_594 = arith.addi %mul3A_2, %mul3A_593 : i32
        %dma_wait3A_595 = arith.constant 5 : i32
        %dma_wait3A_596 = arith.constant 5 : i32
        %dma_wait3A_597 = arith.constant 0 : i32
        %dma_wait3A_598 = arith.constant 0 : i32
        %dma_wait3A_599 = tpu.memref_slice %arg6[%dma_wait3A_595, %dma_wait3A_597, %dma_wait3A_598] : memref<8x128x64xf32, #tpu.memory_space<vmem>> -> memref<1x128x64xf32, #tpu.memory_space<vmem>>
        %dma_wait3A_600 = tpu.memref_squeeze %dma_wait3A_599 : memref<1x128x64xf32, #tpu.memory_space<vmem>> -> memref<128x64xf32, #tpu.memory_space<vmem>>
        %dma_wait3A_601 = arith.constant 0 : i32
        %dma_wait3A_602 = tpu.memref_slice %arg4[%add3A_594, %dma_wait3A_601] : memref<425984x64xf32, #tpu.memory_space<hbm>> -> memref<128x64xf32, #tpu.memory_space<hbm>>
        %dma_wait3A_603 = tpu.memref_slice %arg8[%dma_wait3A_596] : memref<8x!tpu.dma_semaphore, #tpu.memory_space<semaphore_mem>> -> memref<1x!tpu.dma_semaphore, #tpu.memory_space<semaphore_mem>>
        %dma_wait3A_604 = tpu.memref_squeeze %dma_wait3A_603 : memref<1x!tpu.dma_semaphore, #tpu.memory_space<semaphore_mem>> -> memref<!tpu.dma_semaphore, #tpu.memory_space<semaphore_mem>>
        %dma_wait3A_605 = arith.constant 0 : i32
        %dma_wait3A_606 = tpu.memref_slice %arg4[%add3A_594, %dma_wait3A_605] : memref<425984x64xf32, #tpu.memory_space<hbm>> -> memref<128x64xf32, #tpu.memory_space<hbm>>
        %dma_wait3A_607 = arith.constant 0 : i32
        %dma_wait3A_608 = arith.constant 0 : i32
        %dma_wait3A_609 = tpu.memref_slice %arg6[%dma_wait3A_595, %dma_wait3A_607, %dma_wait3A_608] : memref<8x128x64xf32, #tpu.memory_space<vmem>> -> memref<1x128x64xf32, #tpu.memory_space<vmem>>
        %dma_wait3A_610 = tpu.memref_squeeze %dma_wait3A_609 : memref<1x128x64xf32, #tpu.memory_space<vmem>> -> memref<128x64xf32, #tpu.memory_space<vmem>>
        tpu.wait_dma2 semaphore(%dma_wait3A_604 : memref<!tpu.dma_semaphore, #tpu.memory_space<semaphore_mem>>) src(%dma_wait3A_610 : memref<128x64xf32, #tpu.memory_space<vmem>>) dst(%dma_wait3A_606 : memref<128x64xf32, #tpu.memory_space<hbm>>)
        %add3A_611 = arith.constant 8 : i32
        %add3A_612 = arith.addi %add3A_469, %add3A_611 : i32
        %mul3A_613 = arith.constant 128 : i32
        %mul3A_614 = arith.muli %add3A_612, %mul3A_613 : i32
        %dma_start3A_615 = arith.constant 5 : i32
        %dma_start3A_616 = arith.constant 5 : i32
        %dma_start3A_617 = arith.constant 0 : i32
        %dma_start3A_618 = arith.constant 0 : i32
        %dma_start3A_619 = tpu.memref_slice %arg6[%dma_start3A_615, %dma_start3A_617, %dma_start3A_618] : memref<8x128x64xf32, #tpu.memory_space<vmem>> -> memref<1x128x64xf32, #tpu.memory_space<vmem>>
        %dma_start3A_620 = tpu.memref_squeeze %dma_start3A_619 : memref<1x128x64xf32, #tpu.memory_space<vmem>> -> memref<128x64xf32, #tpu.memory_space<vmem>>
        %dma_start3A_621 = tpu.memref_slice %arg5[%mul3A_614] : memref<13312xi32, #tpu.memory_space<vmem>> -> memref<128xi32, #tpu.memory_space<vmem>>
        %dma_start3A_622 = arith.constant 0 : i32
        %dma_start3A_623 = arith.constant 0 : i32
        %dma_start3A_624 = tpu.memref_slice %arg3[%dma_start3A_622, %dma_start3A_623] : memref<1000000x64xf32, #tpu.memory_space<hbm>> -> memref<1000000x64xf32, #tpu.memory_space<hbm>>
        %dma_start3A_625 = tpu.memref_slice %arg7[%dma_start3A_616] : memref<8x!tpu.dma_semaphore, #tpu.memory_space<semaphore_mem>> -> memref<1x!tpu.dma_semaphore, #tpu.memory_space<semaphore_mem>>
        %dma_start3A_626 = tpu.memref_squeeze %dma_start3A_625 : memref<1x!tpu.dma_semaphore, #tpu.memory_space<semaphore_mem>> -> memref<!tpu.dma_semaphore, #tpu.memory_space<semaphore_mem>>
        tpu.enqueue_indirect_dma source(%dma_start3A_624 : memref<1000000x64xf32, #tpu.memory_space<hbm>>) target(%dma_start3A_620 : memref<128x64xf32, #tpu.memory_space<vmem>>) offsets(%dma_start3A_621 : memref<128xi32, #tpu.memory_space<vmem>>) semaphore(%dma_start3A_626 : memref<!tpu.dma_semaphore, #tpu.memory_space<semaphore_mem>>)
      } else {
      }
      %mul3A_508 = arith.constant 8 : i32
      %mul3A_509 = arith.muli %scan3A_258, %mul3A_508 : i32
      %add3A_510 = arith.constant 6 : i32
      %add3A_511 = arith.addi %mul3A_509, %add3A_510 : i32
      %mul3A_512 = arith.constant 128 : i32
      %mul3A_513 = arith.muli %add3A_511, %mul3A_512 : i32
      %dma_wait3A_514 = arith.constant 6 : i32
      %dma_wait3A_515 = arith.constant 6 : i32
      %dma_wait3A_516 = arith.constant 0 : i32
      %dma_wait3A_517 = arith.constant 0 : i32
      %dma_wait3A_518 = tpu.memref_slice %arg6[%dma_wait3A_514, %dma_wait3A_516, %dma_wait3A_517] : memref<8x128x64xf32, #tpu.memory_space<vmem>> -> memref<1x128x64xf32, #tpu.memory_space<vmem>>
      %dma_wait3A_519 = tpu.memref_squeeze %dma_wait3A_518 : memref<1x128x64xf32, #tpu.memory_space<vmem>> -> memref<128x64xf32, #tpu.memory_space<vmem>>
      %dma_wait3A_520 = tpu.memref_slice %arg5[%mul3A_513] : memref<13312xi32, #tpu.memory_space<vmem>> -> memref<128xi32, #tpu.memory_space<vmem>>
      %dma_wait3A_521 = arith.constant 0 : i32
      %dma_wait3A_522 = arith.constant 0 : i32
      %dma_wait3A_523 = tpu.memref_slice %arg3[%dma_wait3A_521, %dma_wait3A_522] : memref<1000000x64xf32, #tpu.memory_space<hbm>> -> memref<1000000x64xf32, #tpu.memory_space<hbm>>
      %dma_wait3A_524 = tpu.memref_slice %arg7[%dma_wait3A_515] : memref<8x!tpu.dma_semaphore, #tpu.memory_space<semaphore_mem>> -> memref<1x!tpu.dma_semaphore, #tpu.memory_space<semaphore_mem>>
      %dma_wait3A_525 = tpu.memref_squeeze %dma_wait3A_524 : memref<1x!tpu.dma_semaphore, #tpu.memory_space<semaphore_mem>> -> memref<!tpu.dma_semaphore, #tpu.memory_space<semaphore_mem>>
      tpu.wait_indirect_dma semaphore(%dma_wait3A_525 : memref<!tpu.dma_semaphore, #tpu.memory_space<semaphore_mem>>) src(%dma_wait3A_523 : memref<1000000x64xf32, #tpu.memory_space<hbm>>) dst(%dma_wait3A_519 : memref<128x64xf32, #tpu.memory_space<vmem>>)
      %mul3A_526 = arith.constant 128 : i32
      %mul3A_527 = arith.muli %add3A_511, %mul3A_526 : i32
      %add3A_528 = arith.addi %mul3A_2, %mul3A_527 : i32
      %dma_start3A_529 = arith.constant 6 : i32
      %dma_start3A_530 = arith.constant 6 : i32
      %dma_start3A_531 = arith.constant 0 : i32
      %dma_start3A_532 = arith.constant 0 : i32
      %dma_start3A_533 = tpu.memref_slice %arg6[%dma_start3A_529, %dma_start3A_531, %dma_start3A_532] : memref<8x128x64xf32, #tpu.memory_space<vmem>> -> memref<1x128x64xf32, #tpu.memory_space<vmem>>
      %dma_start3A_534 = tpu.memref_squeeze %dma_start3A_533 : memref<1x128x64xf32, #tpu.memory_space<vmem>> -> memref<128x64xf32, #tpu.memory_space<vmem>>
      %dma_start3A_535 = arith.constant 0 : i32
      %dma_start3A_536 = tpu.memref_slice %arg4[%add3A_528, %dma_start3A_535] : memref<425984x64xf32, #tpu.memory_space<hbm>> -> memref<128x64xf32, #tpu.memory_space<hbm>>
      %dma_start3A_537 = tpu.memref_slice %arg8[%dma_start3A_530] : memref<8x!tpu.dma_semaphore, #tpu.memory_space<semaphore_mem>> -> memref<1x!tpu.dma_semaphore, #tpu.memory_space<semaphore_mem>>
      %dma_start3A_538 = tpu.memref_squeeze %dma_start3A_537 : memref<1x!tpu.dma_semaphore, #tpu.memory_space<semaphore_mem>> -> memref<!tpu.dma_semaphore, #tpu.memory_space<semaphore_mem>>
      %dma_start3A_539 = arith.constant 0 : i32
      %dma_start3A_540 = tpu.memref_slice %arg4[%add3A_528, %dma_start3A_539] : memref<425984x64xf32, #tpu.memory_space<hbm>> -> memref<128x64xf32, #tpu.memory_space<hbm>>
      %dma_start3A_541 = arith.constant 0 : i32
      %dma_start3A_542 = arith.constant 0 : i32
      %dma_start3A_543 = tpu.memref_slice %arg6[%dma_start3A_529, %dma_start3A_541, %dma_start3A_542] : memref<8x128x64xf32, #tpu.memory_space<vmem>> -> memref<1x128x64xf32, #tpu.memory_space<vmem>>
      %dma_start3A_544 = tpu.memref_squeeze %dma_start3A_543 : memref<1x128x64xf32, #tpu.memory_space<vmem>> -> memref<128x64xf32, #tpu.memory_space<vmem>>
      tpu.enqueue_dma source(%dma_start3A_544 : memref<128x64xf32, #tpu.memory_space<vmem>>) target(%dma_start3A_540 : memref<128x64xf32, #tpu.memory_space<hbm>>) target_semaphore(%dma_start3A_538 : memref<!tpu.dma_semaphore, #tpu.memory_space<semaphore_mem>>)
      %lt3A_545 = arith.constant 12 : i32
      %lt3A_546 = arith.cmpi slt, %scan3A_258, %lt3A_545 : i32
      %convert_element_type3A_547 = arith.extui %lt3A_546 : i1 to i32
      %cond3A_548 = arith.constant 0 : i32
      %cond3A_549 = arith.cmpi ne, %convert_element_type3A_547, %cond3A_548 : i32
      scf.if %cond3A_549 {
        %mul3A_592 = arith.constant 128 : i32
        %mul3A_593 = arith.muli %add3A_511, %mul3A_592 : i32
        %add3A_594 = arith.addi %mul3A_2, %mul3A_593 : i32
        %dma_wait3A_595 = arith.constant 6 : i32
        %dma_wait3A_596 = arith.constant 6 : i32
        %dma_wait3A_597 = arith.constant 0 : i32
        %dma_wait3A_598 = arith.constant 0 : i32
        %dma_wait3A_599 = tpu.memref_slice %arg6[%dma_wait3A_595, %dma_wait3A_597, %dma_wait3A_598] : memref<8x128x64xf32, #tpu.memory_space<vmem>> -> memref<1x128x64xf32, #tpu.memory_space<vmem>>
        %dma_wait3A_600 = tpu.memref_squeeze %dma_wait3A_599 : memref<1x128x64xf32, #tpu.memory_space<vmem>> -> memref<128x64xf32, #tpu.memory_space<vmem>>
        %dma_wait3A_601 = arith.constant 0 : i32
        %dma_wait3A_602 = tpu.memref_slice %arg4[%add3A_594, %dma_wait3A_601] : memref<425984x64xf32, #tpu.memory_space<hbm>> -> memref<128x64xf32, #tpu.memory_space<hbm>>
        %dma_wait3A_603 = tpu.memref_slice %arg8[%dma_wait3A_596] : memref<8x!tpu.dma_semaphore, #tpu.memory_space<semaphore_mem>> -> memref<1x!tpu.dma_semaphore, #tpu.memory_space<semaphore_mem>>
        %dma_wait3A_604 = tpu.memref_squeeze %dma_wait3A_603 : memref<1x!tpu.dma_semaphore, #tpu.memory_space<semaphore_mem>> -> memref<!tpu.dma_semaphore, #tpu.memory_space<semaphore_mem>>
        %dma_wait3A_605 = arith.constant 0 : i32
        %dma_wait3A_606 = tpu.memref_slice %arg4[%add3A_594, %dma_wait3A_605] : memref<425984x64xf32, #tpu.memory_space<hbm>> -> memref<128x64xf32, #tpu.memory_space<hbm>>
        %dma_wait3A_607 = arith.constant 0 : i32
        %dma_wait3A_608 = arith.constant 0 : i32
        %dma_wait3A_609 = tpu.memref_slice %arg6[%dma_wait3A_595, %dma_wait3A_607, %dma_wait3A_608] : memref<8x128x64xf32, #tpu.memory_space<vmem>> -> memref<1x128x64xf32, #tpu.memory_space<vmem>>
        %dma_wait3A_610 = tpu.memref_squeeze %dma_wait3A_609 : memref<1x128x64xf32, #tpu.memory_space<vmem>> -> memref<128x64xf32, #tpu.memory_space<vmem>>
        tpu.wait_dma2 semaphore(%dma_wait3A_604 : memref<!tpu.dma_semaphore, #tpu.memory_space<semaphore_mem>>) src(%dma_wait3A_610 : memref<128x64xf32, #tpu.memory_space<vmem>>) dst(%dma_wait3A_606 : memref<128x64xf32, #tpu.memory_space<hbm>>)
        %add3A_611 = arith.constant 8 : i32
        %add3A_612 = arith.addi %add3A_511, %add3A_611 : i32
        %mul3A_613 = arith.constant 128 : i32
        %mul3A_614 = arith.muli %add3A_612, %mul3A_613 : i32
        %dma_start3A_615 = arith.constant 6 : i32
        %dma_start3A_616 = arith.constant 6 : i32
        %dma_start3A_617 = arith.constant 0 : i32
        %dma_start3A_618 = arith.constant 0 : i32
        %dma_start3A_619 = tpu.memref_slice %arg6[%dma_start3A_615, %dma_start3A_617, %dma_start3A_618] : memref<8x128x64xf32, #tpu.memory_space<vmem>> -> memref<1x128x64xf32, #tpu.memory_space<vmem>>
        %dma_start3A_620 = tpu.memref_squeeze %dma_start3A_619 : memref<1x128x64xf32, #tpu.memory_space<vmem>> -> memref<128x64xf32, #tpu.memory_space<vmem>>
        %dma_start3A_621 = tpu.memref_slice %arg5[%mul3A_614] : memref<13312xi32, #tpu.memory_space<vmem>> -> memref<128xi32, #tpu.memory_space<vmem>>
        %dma_start3A_622 = arith.constant 0 : i32
        %dma_start3A_623 = arith.constant 0 : i32
        %dma_start3A_624 = tpu.memref_slice %arg3[%dma_start3A_622, %dma_start3A_623] : memref<1000000x64xf32, #tpu.memory_space<hbm>> -> memref<1000000x64xf32, #tpu.memory_space<hbm>>
        %dma_start3A_625 = tpu.memref_slice %arg7[%dma_start3A_616] : memref<8x!tpu.dma_semaphore, #tpu.memory_space<semaphore_mem>> -> memref<1x!tpu.dma_semaphore, #tpu.memory_space<semaphore_mem>>
        %dma_start3A_626 = tpu.memref_squeeze %dma_start3A_625 : memref<1x!tpu.dma_semaphore, #tpu.memory_space<semaphore_mem>> -> memref<!tpu.dma_semaphore, #tpu.memory_space<semaphore_mem>>
        tpu.enqueue_indirect_dma source(%dma_start3A_624 : memref<1000000x64xf32, #tpu.memory_space<hbm>>) target(%dma_start3A_620 : memref<128x64xf32, #tpu.memory_space<vmem>>) offsets(%dma_start3A_621 : memref<128xi32, #tpu.memory_space<vmem>>) semaphore(%dma_start3A_626 : memref<!tpu.dma_semaphore, #tpu.memory_space<semaphore_mem>>)
      } else {
      }
      %mul3A_550 = arith.constant 8 : i32
      %mul3A_551 = arith.muli %scan3A_258, %mul3A_550 : i32
      %add3A_552 = arith.constant 7 : i32
      %add3A_553 = arith.addi %mul3A_551, %add3A_552 : i32
      %mul3A_554 = arith.constant 128 : i32
      %mul3A_555 = arith.muli %add3A_553, %mul3A_554 : i32
      %dma_wait3A_556 = arith.constant 7 : i32
      %dma_wait3A_557 = arith.constant 7 : i32
      %dma_wait3A_558 = arith.constant 0 : i32
      %dma_wait3A_559 = arith.constant 0 : i32
      %dma_wait3A_560 = tpu.memref_slice %arg6[%dma_wait3A_556, %dma_wait3A_558, %dma_wait3A_559] : memref<8x128x64xf32, #tpu.memory_space<vmem>> -> memref<1x128x64xf32, #tpu.memory_space<vmem>>
      %dma_wait3A_561 = tpu.memref_squeeze %dma_wait3A_560 : memref<1x128x64xf32, #tpu.memory_space<vmem>> -> memref<128x64xf32, #tpu.memory_space<vmem>>
      %dma_wait3A_562 = tpu.memref_slice %arg5[%mul3A_555] : memref<13312xi32, #tpu.memory_space<vmem>> -> memref<128xi32, #tpu.memory_space<vmem>>
      %dma_wait3A_563 = arith.constant 0 : i32
      %dma_wait3A_564 = arith.constant 0 : i32
      %dma_wait3A_565 = tpu.memref_slice %arg3[%dma_wait3A_563, %dma_wait3A_564] : memref<1000000x64xf32, #tpu.memory_space<hbm>> -> memref<1000000x64xf32, #tpu.memory_space<hbm>>
      %dma_wait3A_566 = tpu.memref_slice %arg7[%dma_wait3A_557] : memref<8x!tpu.dma_semaphore, #tpu.memory_space<semaphore_mem>> -> memref<1x!tpu.dma_semaphore, #tpu.memory_space<semaphore_mem>>
      %dma_wait3A_567 = tpu.memref_squeeze %dma_wait3A_566 : memref<1x!tpu.dma_semaphore, #tpu.memory_space<semaphore_mem>> -> memref<!tpu.dma_semaphore, #tpu.memory_space<semaphore_mem>>
      tpu.wait_indirect_dma semaphore(%dma_wait3A_567 : memref<!tpu.dma_semaphore, #tpu.memory_space<semaphore_mem>>) src(%dma_wait3A_565 : memref<1000000x64xf32, #tpu.memory_space<hbm>>) dst(%dma_wait3A_561 : memref<128x64xf32, #tpu.memory_space<vmem>>)
      %mul3A_568 = arith.constant 128 : i32
      %mul3A_569 = arith.muli %add3A_553, %mul3A_568 : i32
      %add3A_570 = arith.addi %mul3A_2, %mul3A_569 : i32
      %dma_start3A_571 = arith.constant 7 : i32
      %dma_start3A_572 = arith.constant 7 : i32
      %dma_start3A_573 = arith.constant 0 : i32
      %dma_start3A_574 = arith.constant 0 : i32
      %dma_start3A_575 = tpu.memref_slice %arg6[%dma_start3A_571, %dma_start3A_573, %dma_start3A_574] : memref<8x128x64xf32, #tpu.memory_space<vmem>> -> memref<1x128x64xf32, #tpu.memory_space<vmem>>
      %dma_start3A_576 = tpu.memref_squeeze %dma_start3A_575 : memref<1x128x64xf32, #tpu.memory_space<vmem>> -> memref<128x64xf32, #tpu.memory_space<vmem>>
      %dma_start3A_577 = arith.constant 0 : i32
      %dma_start3A_578 = tpu.memref_slice %arg4[%add3A_570, %dma_start3A_577] : memref<425984x64xf32, #tpu.memory_space<hbm>> -> memref<128x64xf32, #tpu.memory_space<hbm>>
      %dma_start3A_579 = tpu.memref_slice %arg8[%dma_start3A_572] : memref<8x!tpu.dma_semaphore, #tpu.memory_space<semaphore_mem>> -> memref<1x!tpu.dma_semaphore, #tpu.memory_space<semaphore_mem>>
      %dma_start3A_580 = tpu.memref_squeeze %dma_start3A_579 : memref<1x!tpu.dma_semaphore, #tpu.memory_space<semaphore_mem>> -> memref<!tpu.dma_semaphore, #tpu.memory_space<semaphore_mem>>
      %dma_start3A_581 = arith.constant 0 : i32
      %dma_start3A_582 = tpu.memref_slice %arg4[%add3A_570, %dma_start3A_581] : memref<425984x64xf32, #tpu.memory_space<hbm>> -> memref<128x64xf32, #tpu.memory_space<hbm>>
      %dma_start3A_583 = arith.constant 0 : i32
      %dma_start3A_584 = arith.constant 0 : i32
      %dma_start3A_585 = tpu.memref_slice %arg6[%dma_start3A_571, %dma_start3A_583, %dma_start3A_584] : memref<8x128x64xf32, #tpu.memory_space<vmem>> -> memref<1x128x64xf32, #tpu.memory_space<vmem>>
      %dma_start3A_586 = tpu.memref_squeeze %dma_start3A_585 : memref<1x128x64xf32, #tpu.memory_space<vmem>> -> memref<128x64xf32, #tpu.memory_space<vmem>>
      tpu.enqueue_dma source(%dma_start3A_586 : memref<128x64xf32, #tpu.memory_space<vmem>>) target(%dma_start3A_582 : memref<128x64xf32, #tpu.memory_space<hbm>>) target_semaphore(%dma_start3A_580 : memref<!tpu.dma_semaphore, #tpu.memory_space<semaphore_mem>>)
      %lt3A_587 = arith.constant 12 : i32
      %lt3A_588 = arith.cmpi slt, %scan3A_258, %lt3A_587 : i32
      %convert_element_type3A_589 = arith.extui %lt3A_588 : i1 to i32
      %cond3A_590 = arith.constant 0 : i32
      %cond3A_591 = arith.cmpi ne, %convert_element_type3A_589, %cond3A_590 : i32
      scf.if %cond3A_591 {
        %mul3A_592 = arith.constant 128 : i32
        %mul3A_593 = arith.muli %add3A_553, %mul3A_592 : i32
        %add3A_594 = arith.addi %mul3A_2, %mul3A_593 : i32
        %dma_wait3A_595 = arith.constant 7 : i32
        %dma_wait3A_596 = arith.constant 7 : i32
        %dma_wait3A_597 = arith.constant 0 : i32
        %dma_wait3A_598 = arith.constant 0 : i32
        %dma_wait3A_599 = tpu.memref_slice %arg6[%dma_wait3A_595, %dma_wait3A_597, %dma_wait3A_598] : memref<8x128x64xf32, #tpu.memory_space<vmem>> -> memref<1x128x64xf32, #tpu.memory_space<vmem>>
        %dma_wait3A_600 = tpu.memref_squeeze %dma_wait3A_599 : memref<1x128x64xf32, #tpu.memory_space<vmem>> -> memref<128x64xf32, #tpu.memory_space<vmem>>
        %dma_wait3A_601 = arith.constant 0 : i32
        %dma_wait3A_602 = tpu.memref_slice %arg4[%add3A_594, %dma_wait3A_601] : memref<425984x64xf32, #tpu.memory_space<hbm>> -> memref<128x64xf32, #tpu.memory_space<hbm>>
        %dma_wait3A_603 = tpu.memref_slice %arg8[%dma_wait3A_596] : memref<8x!tpu.dma_semaphore, #tpu.memory_space<semaphore_mem>> -> memref<1x!tpu.dma_semaphore, #tpu.memory_space<semaphore_mem>>
        %dma_wait3A_604 = tpu.memref_squeeze %dma_wait3A_603 : memref<1x!tpu.dma_semaphore, #tpu.memory_space<semaphore_mem>> -> memref<!tpu.dma_semaphore, #tpu.memory_space<semaphore_mem>>
        %dma_wait3A_605 = arith.constant 0 : i32
        %dma_wait3A_606 = tpu.memref_slice %arg4[%add3A_594, %dma_wait3A_605] : memref<425984x64xf32, #tpu.memory_space<hbm>> -> memref<128x64xf32, #tpu.memory_space<hbm>>
        %dma_wait3A_607 = arith.constant 0 : i32
        %dma_wait3A_608 = arith.constant 0 : i32
        %dma_wait3A_609 = tpu.memref_slice %arg6[%dma_wait3A_595, %dma_wait3A_607, %dma_wait3A_608] : memref<8x128x64xf32, #tpu.memory_space<vmem>> -> memref<1x128x64xf32, #tpu.memory_space<vmem>>
        %dma_wait3A_610 = tpu.memref_squeeze %dma_wait3A_609 : memref<1x128x64xf32, #tpu.memory_space<vmem>> -> memref<128x64xf32, #tpu.memory_space<vmem>>
        tpu.wait_dma2 semaphore(%dma_wait3A_604 : memref<!tpu.dma_semaphore, #tpu.memory_space<semaphore_mem>>) src(%dma_wait3A_610 : memref<128x64xf32, #tpu.memory_space<vmem>>) dst(%dma_wait3A_606 : memref<128x64xf32, #tpu.memory_space<hbm>>)
        %add3A_611 = arith.constant 8 : i32
        %add3A_612 = arith.addi %add3A_553, %add3A_611 : i32
        %mul3A_613 = arith.constant 128 : i32
        %mul3A_614 = arith.muli %add3A_612, %mul3A_613 : i32
        %dma_start3A_615 = arith.constant 7 : i32
        %dma_start3A_616 = arith.constant 7 : i32
        %dma_start3A_617 = arith.constant 0 : i32
        %dma_start3A_618 = arith.constant 0 : i32
        %dma_start3A_619 = tpu.memref_slice %arg6[%dma_start3A_615, %dma_start3A_617, %dma_start3A_618] : memref<8x128x64xf32, #tpu.memory_space<vmem>> -> memref<1x128x64xf32, #tpu.memory_space<vmem>>
        %dma_start3A_620 = tpu.memref_squeeze %dma_start3A_619 : memref<1x128x64xf32, #tpu.memory_space<vmem>> -> memref<128x64xf32, #tpu.memory_space<vmem>>
        %dma_start3A_621 = tpu.memref_slice %arg5[%mul3A_614] : memref<13312xi32, #tpu.memory_space<vmem>> -> memref<128xi32, #tpu.memory_space<vmem>>
        %dma_start3A_622 = arith.constant 0 : i32
        %dma_start3A_623 = arith.constant 0 : i32
        %dma_start3A_624 = tpu.memref_slice %arg3[%dma_start3A_622, %dma_start3A_623] : memref<1000000x64xf32, #tpu.memory_space<hbm>> -> memref<1000000x64xf32, #tpu.memory_space<hbm>>
        %dma_start3A_625 = tpu.memref_slice %arg7[%dma_start3A_616] : memref<8x!tpu.dma_semaphore, #tpu.memory_space<semaphore_mem>> -> memref<1x!tpu.dma_semaphore, #tpu.memory_space<semaphore_mem>>
        %dma_start3A_626 = tpu.memref_squeeze %dma_start3A_625 : memref<1x!tpu.dma_semaphore, #tpu.memory_space<semaphore_mem>> -> memref<!tpu.dma_semaphore, #tpu.memory_space<semaphore_mem>>
        tpu.enqueue_indirect_dma source(%dma_start3A_624 : memref<1000000x64xf32, #tpu.memory_space<hbm>>) target(%dma_start3A_620 : memref<128x64xf32, #tpu.memory_space<vmem>>) offsets(%dma_start3A_621 : memref<128xi32, #tpu.memory_space<vmem>>) semaphore(%dma_start3A_626 : memref<!tpu.dma_semaphore, #tpu.memory_space<semaphore_mem>>)
      } else {
      }
    }
    %scan3A_113 = arith.constant 13 : i32
    %add3A_114 = arith.constant 12288 : i32
    %add3A_115 = arith.addi %mul3A_2, %add3A_114 : i32
    %dma_wait3A_116 = arith.constant 0 : i32
    %dma_wait3A_117 = arith.constant 0 : i32
    %dma_wait3A_118 = arith.constant 0 : i32
    %dma_wait3A_119 = arith.constant 0 : i32
    %dma_wait3A_120 = tpu.memref_slice %arg6[%dma_wait3A_116, %dma_wait3A_118, %dma_wait3A_119] : memref<8x128x64xf32, #tpu.memory_space<vmem>> -> memref<1x128x64xf32, #tpu.memory_space<vmem>>
    %dma_wait3A_121 = tpu.memref_squeeze %dma_wait3A_120 : memref<1x128x64xf32, #tpu.memory_space<vmem>> -> memref<128x64xf32, #tpu.memory_space<vmem>>
    %dma_wait3A_122 = arith.constant 0 : i32
    %dma_wait3A_123 = tpu.memref_slice %arg4[%add3A_115, %dma_wait3A_122] : memref<425984x64xf32, #tpu.memory_space<hbm>> -> memref<128x64xf32, #tpu.memory_space<hbm>>
    %dma_wait3A_124 = tpu.memref_slice %arg8[%dma_wait3A_117] : memref<8x!tpu.dma_semaphore, #tpu.memory_space<semaphore_mem>> -> memref<1x!tpu.dma_semaphore, #tpu.memory_space<semaphore_mem>>
    %dma_wait3A_125 = tpu.memref_squeeze %dma_wait3A_124 : memref<1x!tpu.dma_semaphore, #tpu.memory_space<semaphore_mem>> -> memref<!tpu.dma_semaphore, #tpu.memory_space<semaphore_mem>>
    %dma_wait3A_126 = arith.constant 0 : i32
    %dma_wait3A_127 = tpu.memref_slice %arg4[%add3A_115, %dma_wait3A_126] : memref<425984x64xf32, #tpu.memory_space<hbm>> -> memref<128x64xf32, #tpu.memory_space<hbm>>
    %dma_wait3A_128 = arith.constant 0 : i32
    %dma_wait3A_129 = arith.constant 0 : i32
    %dma_wait3A_130 = tpu.memref_slice %arg6[%dma_wait3A_116, %dma_wait3A_128, %dma_wait3A_129] : memref<8x128x64xf32, #tpu.memory_space<vmem>> -> memref<1x128x64xf32, #tpu.memory_space<vmem>>
    %dma_wait3A_131 = tpu.memref_squeeze %dma_wait3A_130 : memref<1x128x64xf32, #tpu.memory_space<vmem>> -> memref<128x64xf32, #tpu.memory_space<vmem>>
    tpu.wait_dma2 semaphore(%dma_wait3A_125 : memref<!tpu.dma_semaphore, #tpu.memory_space<semaphore_mem>>) src(%dma_wait3A_131 : memref<128x64xf32, #tpu.memory_space<vmem>>) dst(%dma_wait3A_127 : memref<128x64xf32, #tpu.memory_space<hbm>>)
    %add3A_132 = arith.constant 12416 : i32
    %add3A_133 = arith.addi %mul3A_2, %add3A_132 : i32
    %dma_wait3A_134 = arith.constant 1 : i32
    %dma_wait3A_135 = arith.constant 1 : i32
    %dma_wait3A_136 = arith.constant 0 : i32
    %dma_wait3A_137 = arith.constant 0 : i32
    %dma_wait3A_138 = tpu.memref_slice %arg6[%dma_wait3A_134, %dma_wait3A_136, %dma_wait3A_137] : memref<8x128x64xf32, #tpu.memory_space<vmem>> -> memref<1x128x64xf32, #tpu.memory_space<vmem>>
    %dma_wait3A_139 = tpu.memref_squeeze %dma_wait3A_138 : memref<1x128x64xf32, #tpu.memory_space<vmem>> -> memref<128x64xf32, #tpu.memory_space<vmem>>
    %dma_wait3A_140 = arith.constant 0 : i32
    %dma_wait3A_141 = tpu.memref_slice %arg4[%add3A_133, %dma_wait3A_140] : memref<425984x64xf32, #tpu.memory_space<hbm>> -> memref<128x64xf32, #tpu.memory_space<hbm>>
    %dma_wait3A_142 = tpu.memref_slice %arg8[%dma_wait3A_135] : memref<8x!tpu.dma_semaphore, #tpu.memory_space<semaphore_mem>> -> memref<1x!tpu.dma_semaphore, #tpu.memory_space<semaphore_mem>>
    %dma_wait3A_143 = tpu.memref_squeeze %dma_wait3A_142 : memref<1x!tpu.dma_semaphore, #tpu.memory_space<semaphore_mem>> -> memref<!tpu.dma_semaphore, #tpu.memory_space<semaphore_mem>>
    %dma_wait3A_144 = arith.constant 0 : i32
    %dma_wait3A_145 = tpu.memref_slice %arg4[%add3A_133, %dma_wait3A_144] : memref<425984x64xf32, #tpu.memory_space<hbm>> -> memref<128x64xf32, #tpu.memory_space<hbm>>
    %dma_wait3A_146 = arith.constant 0 : i32
    %dma_wait3A_147 = arith.constant 0 : i32
    %dma_wait3A_148 = tpu.memref_slice %arg6[%dma_wait3A_134, %dma_wait3A_146, %dma_wait3A_147] : memref<8x128x64xf32, #tpu.memory_space<vmem>> -> memref<1x128x64xf32, #tpu.memory_space<vmem>>
    %dma_wait3A_149 = tpu.memref_squeeze %dma_wait3A_148 : memref<1x128x64xf32, #tpu.memory_space<vmem>> -> memref<128x64xf32, #tpu.memory_space<vmem>>
    tpu.wait_dma2 semaphore(%dma_wait3A_143 : memref<!tpu.dma_semaphore, #tpu.memory_space<semaphore_mem>>) src(%dma_wait3A_149 : memref<128x64xf32, #tpu.memory_space<vmem>>) dst(%dma_wait3A_145 : memref<128x64xf32, #tpu.memory_space<hbm>>)
    %add3A_150 = arith.constant 12544 : i32
    %add3A_151 = arith.addi %mul3A_2, %add3A_150 : i32
    %dma_wait3A_152 = arith.constant 2 : i32
    %dma_wait3A_153 = arith.constant 2 : i32
    %dma_wait3A_154 = arith.constant 0 : i32
    %dma_wait3A_155 = arith.constant 0 : i32
    %dma_wait3A_156 = tpu.memref_slice %arg6[%dma_wait3A_152, %dma_wait3A_154, %dma_wait3A_155] : memref<8x128x64xf32, #tpu.memory_space<vmem>> -> memref<1x128x64xf32, #tpu.memory_space<vmem>>
    %dma_wait3A_157 = tpu.memref_squeeze %dma_wait3A_156 : memref<1x128x64xf32, #tpu.memory_space<vmem>> -> memref<128x64xf32, #tpu.memory_space<vmem>>
    %dma_wait3A_158 = arith.constant 0 : i32
    %dma_wait3A_159 = tpu.memref_slice %arg4[%add3A_151, %dma_wait3A_158] : memref<425984x64xf32, #tpu.memory_space<hbm>> -> memref<128x64xf32, #tpu.memory_space<hbm>>
    %dma_wait3A_160 = tpu.memref_slice %arg8[%dma_wait3A_153] : memref<8x!tpu.dma_semaphore, #tpu.memory_space<semaphore_mem>> -> memref<1x!tpu.dma_semaphore, #tpu.memory_space<semaphore_mem>>
    %dma_wait3A_161 = tpu.memref_squeeze %dma_wait3A_160 : memref<1x!tpu.dma_semaphore, #tpu.memory_space<semaphore_mem>> -> memref<!tpu.dma_semaphore, #tpu.memory_space<semaphore_mem>>
    %dma_wait3A_162 = arith.constant 0 : i32
    %dma_wait3A_163 = tpu.memref_slice %arg4[%add3A_151, %dma_wait3A_162] : memref<425984x64xf32, #tpu.memory_space<hbm>> -> memref<128x64xf32, #tpu.memory_space<hbm>>
    %dma_wait3A_164 = arith.constant 0 : i32
    %dma_wait3A_165 = arith.constant 0 : i32
    %dma_wait3A_166 = tpu.memref_slice %arg6[%dma_wait3A_152, %dma_wait3A_164, %dma_wait3A_165] : memref<8x128x64xf32, #tpu.memory_space<vmem>> -> memref<1x128x64xf32, #tpu.memory_space<vmem>>
    %dma_wait3A_167 = tpu.memref_squeeze %dma_wait3A_166 : memref<1x128x64xf32, #tpu.memory_space<vmem>> -> memref<128x64xf32, #tpu.memory_space<vmem>>
    tpu.wait_dma2 semaphore(%dma_wait3A_161 : memref<!tpu.dma_semaphore, #tpu.memory_space<semaphore_mem>>) src(%dma_wait3A_167 : memref<128x64xf32, #tpu.memory_space<vmem>>) dst(%dma_wait3A_163 : memref<128x64xf32, #tpu.memory_space<hbm>>)
    %add3A_168 = arith.constant 12672 : i32
    %add3A_169 = arith.addi %mul3A_2, %add3A_168 : i32
    %dma_wait3A_170 = arith.constant 3 : i32
    %dma_wait3A_171 = arith.constant 3 : i32
    %dma_wait3A_172 = arith.constant 0 : i32
    %dma_wait3A_173 = arith.constant 0 : i32
    %dma_wait3A_174 = tpu.memref_slice %arg6[%dma_wait3A_170, %dma_wait3A_172, %dma_wait3A_173] : memref<8x128x64xf32, #tpu.memory_space<vmem>> -> memref<1x128x64xf32, #tpu.memory_space<vmem>>
    %dma_wait3A_175 = tpu.memref_squeeze %dma_wait3A_174 : memref<1x128x64xf32, #tpu.memory_space<vmem>> -> memref<128x64xf32, #tpu.memory_space<vmem>>
    %dma_wait3A_176 = arith.constant 0 : i32
    %dma_wait3A_177 = tpu.memref_slice %arg4[%add3A_169, %dma_wait3A_176] : memref<425984x64xf32, #tpu.memory_space<hbm>> -> memref<128x64xf32, #tpu.memory_space<hbm>>
    %dma_wait3A_178 = tpu.memref_slice %arg8[%dma_wait3A_171] : memref<8x!tpu.dma_semaphore, #tpu.memory_space<semaphore_mem>> -> memref<1x!tpu.dma_semaphore, #tpu.memory_space<semaphore_mem>>
    %dma_wait3A_179 = tpu.memref_squeeze %dma_wait3A_178 : memref<1x!tpu.dma_semaphore, #tpu.memory_space<semaphore_mem>> -> memref<!tpu.dma_semaphore, #tpu.memory_space<semaphore_mem>>
    %dma_wait3A_180 = arith.constant 0 : i32
    %dma_wait3A_181 = tpu.memref_slice %arg4[%add3A_169, %dma_wait3A_180] : memref<425984x64xf32, #tpu.memory_space<hbm>> -> memref<128x64xf32, #tpu.memory_space<hbm>>
    %dma_wait3A_182 = arith.constant 0 : i32
    %dma_wait3A_183 = arith.constant 0 : i32
    %dma_wait3A_184 = tpu.memref_slice %arg6[%dma_wait3A_170, %dma_wait3A_182, %dma_wait3A_183] : memref<8x128x64xf32, #tpu.memory_space<vmem>> -> memref<1x128x64xf32, #tpu.memory_space<vmem>>
    %dma_wait3A_185 = tpu.memref_squeeze %dma_wait3A_184 : memref<1x128x64xf32, #tpu.memory_space<vmem>> -> memref<128x64xf32, #tpu.memory_space<vmem>>
    tpu.wait_dma2 semaphore(%dma_wait3A_179 : memref<!tpu.dma_semaphore, #tpu.memory_space<semaphore_mem>>) src(%dma_wait3A_185 : memref<128x64xf32, #tpu.memory_space<vmem>>) dst(%dma_wait3A_181 : memref<128x64xf32, #tpu.memory_space<hbm>>)
    %add3A_186 = arith.constant 12800 : i32
    %add3A_187 = arith.addi %mul3A_2, %add3A_186 : i32
    %dma_wait3A_188 = arith.constant 4 : i32
    %dma_wait3A_189 = arith.constant 4 : i32
    %dma_wait3A_190 = arith.constant 0 : i32
    %dma_wait3A_191 = arith.constant 0 : i32
    %dma_wait3A_192 = tpu.memref_slice %arg6[%dma_wait3A_188, %dma_wait3A_190, %dma_wait3A_191] : memref<8x128x64xf32, #tpu.memory_space<vmem>> -> memref<1x128x64xf32, #tpu.memory_space<vmem>>
    %dma_wait3A_193 = tpu.memref_squeeze %dma_wait3A_192 : memref<1x128x64xf32, #tpu.memory_space<vmem>> -> memref<128x64xf32, #tpu.memory_space<vmem>>
    %dma_wait3A_194 = arith.constant 0 : i32
    %dma_wait3A_195 = tpu.memref_slice %arg4[%add3A_187, %dma_wait3A_194] : memref<425984x64xf32, #tpu.memory_space<hbm>> -> memref<128x64xf32, #tpu.memory_space<hbm>>
    %dma_wait3A_196 = tpu.memref_slice %arg8[%dma_wait3A_189] : memref<8x!tpu.dma_semaphore, #tpu.memory_space<semaphore_mem>> -> memref<1x!tpu.dma_semaphore, #tpu.memory_space<semaphore_mem>>
    %dma_wait3A_197 = tpu.memref_squeeze %dma_wait3A_196 : memref<1x!tpu.dma_semaphore, #tpu.memory_space<semaphore_mem>> -> memref<!tpu.dma_semaphore, #tpu.memory_space<semaphore_mem>>
    %dma_wait3A_198 = arith.constant 0 : i32
    %dma_wait3A_199 = tpu.memref_slice %arg4[%add3A_187, %dma_wait3A_198] : memref<425984x64xf32, #tpu.memory_space<hbm>> -> memref<128x64xf32, #tpu.memory_space<hbm>>
    %dma_wait3A_200 = arith.constant 0 : i32
    %dma_wait3A_201 = arith.constant 0 : i32
    %dma_wait3A_202 = tpu.memref_slice %arg6[%dma_wait3A_188, %dma_wait3A_200, %dma_wait3A_201] : memref<8x128x64xf32, #tpu.memory_space<vmem>> -> memref<1x128x64xf32, #tpu.memory_space<vmem>>
    %dma_wait3A_203 = tpu.memref_squeeze %dma_wait3A_202 : memref<1x128x64xf32, #tpu.memory_space<vmem>> -> memref<128x64xf32, #tpu.memory_space<vmem>>
    tpu.wait_dma2 semaphore(%dma_wait3A_197 : memref<!tpu.dma_semaphore, #tpu.memory_space<semaphore_mem>>) src(%dma_wait3A_203 : memref<128x64xf32, #tpu.memory_space<vmem>>) dst(%dma_wait3A_199 : memref<128x64xf32, #tpu.memory_space<hbm>>)
    %add3A_204 = arith.constant 12928 : i32
    %add3A_205 = arith.addi %mul3A_2, %add3A_204 : i32
    %dma_wait3A_206 = arith.constant 5 : i32
    %dma_wait3A_207 = arith.constant 5 : i32
    %dma_wait3A_208 = arith.constant 0 : i32
    %dma_wait3A_209 = arith.constant 0 : i32
    %dma_wait3A_210 = tpu.memref_slice %arg6[%dma_wait3A_206, %dma_wait3A_208, %dma_wait3A_209] : memref<8x128x64xf32, #tpu.memory_space<vmem>> -> memref<1x128x64xf32, #tpu.memory_space<vmem>>
    %dma_wait3A_211 = tpu.memref_squeeze %dma_wait3A_210 : memref<1x128x64xf32, #tpu.memory_space<vmem>> -> memref<128x64xf32, #tpu.memory_space<vmem>>
    %dma_wait3A_212 = arith.constant 0 : i32
    %dma_wait3A_213 = tpu.memref_slice %arg4[%add3A_205, %dma_wait3A_212] : memref<425984x64xf32, #tpu.memory_space<hbm>> -> memref<128x64xf32, #tpu.memory_space<hbm>>
    %dma_wait3A_214 = tpu.memref_slice %arg8[%dma_wait3A_207] : memref<8x!tpu.dma_semaphore, #tpu.memory_space<semaphore_mem>> -> memref<1x!tpu.dma_semaphore, #tpu.memory_space<semaphore_mem>>
    %dma_wait3A_215 = tpu.memref_squeeze %dma_wait3A_214 : memref<1x!tpu.dma_semaphore, #tpu.memory_space<semaphore_mem>> -> memref<!tpu.dma_semaphore, #tpu.memory_space<semaphore_mem>>
    %dma_wait3A_216 = arith.constant 0 : i32
    %dma_wait3A_217 = tpu.memref_slice %arg4[%add3A_205, %dma_wait3A_216] : memref<425984x64xf32, #tpu.memory_space<hbm>> -> memref<128x64xf32, #tpu.memory_space<hbm>>
    %dma_wait3A_218 = arith.constant 0 : i32
    %dma_wait3A_219 = arith.constant 0 : i32
    %dma_wait3A_220 = tpu.memref_slice %arg6[%dma_wait3A_206, %dma_wait3A_218, %dma_wait3A_219] : memref<8x128x64xf32, #tpu.memory_space<vmem>> -> memref<1x128x64xf32, #tpu.memory_space<vmem>>
    %dma_wait3A_221 = tpu.memref_squeeze %dma_wait3A_220 : memref<1x128x64xf32, #tpu.memory_space<vmem>> -> memref<128x64xf32, #tpu.memory_space<vmem>>
    tpu.wait_dma2 semaphore(%dma_wait3A_215 : memref<!tpu.dma_semaphore, #tpu.memory_space<semaphore_mem>>) src(%dma_wait3A_221 : memref<128x64xf32, #tpu.memory_space<vmem>>) dst(%dma_wait3A_217 : memref<128x64xf32, #tpu.memory_space<hbm>>)
    %add3A_222 = arith.constant 13056 : i32
    %add3A_223 = arith.addi %mul3A_2, %add3A_222 : i32
    %dma_wait3A_224 = arith.constant 6 : i32
    %dma_wait3A_225 = arith.constant 6 : i32
    %dma_wait3A_226 = arith.constant 0 : i32
    %dma_wait3A_227 = arith.constant 0 : i32
    %dma_wait3A_228 = tpu.memref_slice %arg6[%dma_wait3A_224, %dma_wait3A_226, %dma_wait3A_227] : memref<8x128x64xf32, #tpu.memory_space<vmem>> -> memref<1x128x64xf32, #tpu.memory_space<vmem>>
    %dma_wait3A_229 = tpu.memref_squeeze %dma_wait3A_228 : memref<1x128x64xf32, #tpu.memory_space<vmem>> -> memref<128x64xf32, #tpu.memory_space<vmem>>
    %dma_wait3A_230 = arith.constant 0 : i32
    %dma_wait3A_231 = tpu.memref_slice %arg4[%add3A_223, %dma_wait3A_230] : memref<425984x64xf32, #tpu.memory_space<hbm>> -> memref<128x64xf32, #tpu.memory_space<hbm>>
    %dma_wait3A_232 = tpu.memref_slice %arg8[%dma_wait3A_225] : memref<8x!tpu.dma_semaphore, #tpu.memory_space<semaphore_mem>> -> memref<1x!tpu.dma_semaphore, #tpu.memory_space<semaphore_mem>>
    %dma_wait3A_233 = tpu.memref_squeeze %dma_wait3A_232 : memref<1x!tpu.dma_semaphore, #tpu.memory_space<semaphore_mem>> -> memref<!tpu.dma_semaphore, #tpu.memory_space<semaphore_mem>>
    %dma_wait3A_234 = arith.constant 0 : i32
    %dma_wait3A_235 = tpu.memref_slice %arg4[%add3A_223, %dma_wait3A_234] : memref<425984x64xf32, #tpu.memory_space<hbm>> -> memref<128x64xf32, #tpu.memory_space<hbm>>
    %dma_wait3A_236 = arith.constant 0 : i32
    %dma_wait3A_237 = arith.constant 0 : i32
    %dma_wait3A_238 = tpu.memref_slice %arg6[%dma_wait3A_224, %dma_wait3A_236, %dma_wait3A_237] : memref<8x128x64xf32, #tpu.memory_space<vmem>> -> memref<1x128x64xf32, #tpu.memory_space<vmem>>
    %dma_wait3A_239 = tpu.memref_squeeze %dma_wait3A_238 : memref<1x128x64xf32, #tpu.memory_space<vmem>> -> memref<128x64xf32, #tpu.memory_space<vmem>>
    tpu.wait_dma2 semaphore(%dma_wait3A_233 : memref<!tpu.dma_semaphore, #tpu.memory_space<semaphore_mem>>) src(%dma_wait3A_239 : memref<128x64xf32, #tpu.memory_space<vmem>>) dst(%dma_wait3A_235 : memref<128x64xf32, #tpu.memory_space<hbm>>)
    %add3A_240 = arith.constant 13184 : i32
    %add3A_241 = arith.addi %mul3A_2, %add3A_240 : i32
    %dma_wait3A_242 = arith.constant 7 : i32
    %dma_wait3A_243 = arith.constant 7 : i32
    %dma_wait3A_244 = arith.constant 0 : i32
    %dma_wait3A_245 = arith.constant 0 : i32
    %dma_wait3A_246 = tpu.memref_slice %arg6[%dma_wait3A_242, %dma_wait3A_244, %dma_wait3A_245] : memref<8x128x64xf32, #tpu.memory_space<vmem>> -> memref<1x128x64xf32, #tpu.memory_space<vmem>>
    %dma_wait3A_247 = tpu.memref_squeeze %dma_wait3A_246 : memref<1x128x64xf32, #tpu.memory_space<vmem>> -> memref<128x64xf32, #tpu.memory_space<vmem>>
    %dma_wait3A_248 = arith.constant 0 : i32
    %dma_wait3A_249 = tpu.memref_slice %arg4[%add3A_241, %dma_wait3A_248] : memref<425984x64xf32, #tpu.memory_space<hbm>> -> memref<128x64xf32, #tpu.memory_space<hbm>>
    %dma_wait3A_250 = tpu.memref_slice %arg8[%dma_wait3A_243] : memref<8x!tpu.dma_semaphore, #tpu.memory_space<semaphore_mem>> -> memref<1x!tpu.dma_semaphore, #tpu.memory_space<semaphore_mem>>
    %dma_wait3A_251 = tpu.memref_squeeze %dma_wait3A_250 : memref<1x!tpu.dma_semaphore, #tpu.memory_space<semaphore_mem>> -> memref<!tpu.dma_semaphore, #tpu.memory_space<semaphore_mem>>
    %dma_wait3A_252 = arith.constant 0 : i32
    %dma_wait3A_253 = tpu.memref_slice %arg4[%add3A_241, %dma_wait3A_252] : memref<425984x64xf32, #tpu.memory_space<hbm>> -> memref<128x64xf32, #tpu.memory_space<hbm>>
    %dma_wait3A_254 = arith.constant 0 : i32
    %dma_wait3A_255 = arith.constant 0 : i32
    %dma_wait3A_256 = tpu.memref_slice %arg6[%dma_wait3A_242, %dma_wait3A_254, %dma_wait3A_255] : memref<8x128x64xf32, #tpu.memory_space<vmem>> -> memref<1x128x64xf32, #tpu.memory_space<vmem>>
    %dma_wait3A_257 = tpu.memref_squeeze %dma_wait3A_256 : memref<1x128x64xf32, #tpu.memory_space<vmem>> -> memref<128x64xf32, #tpu.memory_space<vmem>>
    tpu.wait_dma2 semaphore(%dma_wait3A_251 : memref<!tpu.dma_semaphore, #tpu.memory_space<semaphore_mem>>) src(%dma_wait3A_257 : memref<128x64xf32, #tpu.memory_space<vmem>>) dst(%dma_wait3A_253 : memref<128x64xf32, #tpu.memory_space<hbm>>)
    return
  }
}

</mosaic_0001>

<sc_bundles>
// kernel: kernel.3.cloned.1.call-start
scs
__scs_entry_jumppad:
0x0: {  	(pc) =	sbr.rel $0x88, $3  }
0x1: {  	(tag) =	ssettag $0x0;
	lr =	simm.s32 $0x1  }
0x2: {  	[smem:$0x3F9F] =	sst lr;
	_ =	strace $0xD0000000  }
0x3: {  	_ = 	snop  }
0x4: {  	_ = 	snop  }
0x5: {  	_ = 	snop  }
0x6: {  	_ = 	snop  }
0x7: {  	_ = 	snop  }
__scs_overlays_trampoline_lowered:
0x8: {  	[smem:$0x3FAE] =	sst s0  }
0x9: {  	[smem:$0x3FAF] =	sst s1  }
0xa: {  	[smem:$0x3FB0] =	sst s2  }
0xb: {  	[smem:$0x3FB1] =	sst s3  }
0xc: {  	[smem:$0x3FB2] =	sst s4  }
0xd: {  	[smem:$0x3FB3] =	sst s5  }
0xe: {  	[smem:$0x3FB4] =	sst s6  }
0xf: {  	[smem:$0x3FB5] =	sst s7  }
0x10: {  	[smem:$0x3FB6] =	sst s8  }
0x11: {  	[smem:$0x3FB7] =	sst s9;
	s0 =	simm.s32 @!p0 $0x0  }
0x12: {  	s1 =	sld [smem:$0x3F9D];
	s0 =	simm.s32 @p0 $0x1  }
0x13: {  	[smem:$0x3FB8] =	sst s0;
	s0 =	simm.s32 @!p1 $0x0  }
0x14: {  	s2 =	sld [smem:$0x3F9C];
	s0 =	simm.s32 @p1 $0x1  }
0x15: {  	[smem:$0x3FB9] =	sst s0;
	s0 =	simm.s32 @!p2 $0x0  }
0x16: {  	s3 =	sld [smem:$0x3FDB];
	s0 =	simm.s32 @p2 $0x1  }
0x17: {  	s4 =	simm.s32 $0x1BF5;
	[smem:$0x3FBB] =	sst s0  }
0x18: {  	s0 =	sld [smem:$0x3F9E];
	_ =	swait.ge [sflag:s4], $0x0  }
0x19: {  	s7 =	sld [smem:$0x3F9F]  }
0x1a: {  	s8 =	sadd.s32 $0xFFFFE003, lr  }
0x1b: {  	s9 =	sadd.s32 $0xFFFFFEF7, lr;
	s5 =	simm.s32 $0xFFFFFFFF;
	p2 =	slt.u32 s8, $0xFFFFF086  }
0x1c: {  	p1 =	slt.u32 s9, $0xF7A;
	s5 =	simm.s32 @!p2 $0x0  }
0x1d: {  	s5 =	simm.s32 @p1 $0x1;
	p0 =	seq.s32 s7, s2  }
0x1e: {  	s7 =	smul.u32 @!p0 $0xF7A, s2;
	p2 =	seq.s32 @!p0 s5, $0x0  }
0x1f: {  	s9 =	smul.u32 $0xF7A, s1;
	s8 =	simm.s32 @!p0 $0x1BF5;
	p2 =	por !p2, p0  }
0x20: {  	[sflag:s8] =	ssyncset.s32 @!p0 $0xFFFFF086;
	s6 =	sadd.s32 @!p0 s3, s7;
	s7 =	simm.s32 @!p0 $0x108  }
0x21: {  	s3 =	sadd.s32 s3, s9;
	s6 =	sadd.s32 @!p0 $0x88, s6;
	s7 =	simm.s32 @p2 $0x1082  }
0x22: {  	[simem:s7], [sflag:s8] =	dma.local @!p0 [hbm:s6], $0xF7A  }
0x23: {  	s9 =	sor.u32 $0xD0000000, s2;
	s6 =	simm.s32 $0x108;
	_ =	swait.ge @!p0 [sflag:s8], $0x0  }
0x24: {  	s3 =	sadd.s32 $0x88, s3;
	s6 =	simm.s32 @!p1 $0x1082;
	[sflag:s4] =	ssyncset.s32 $0xFFFFF086  }
0x25: {  	[simem:s6], [sflag:s4] =	dma.local [hbm:s3], $0xF7A  }
0x26: {  	[smem:$0x3F9F] =	sst s1;
	(tag) =	ssettag s2;
	_ =	strace s9  }
0x27: {  	s1 =	sld [smem:$0x3FAF]  }
0x28: {  	s2 =	sld [smem:$0x3FB0]  }
0x29: {  	s4 =	sld [smem:$0x3FB2]  }
0x2a: {  	p0 =	seq.s32 s5, $0x0;
	s5 =	sld [smem:$0x3FB3]  }
0x2b: {  	s6 =	sld [smem:$0x3FB4]  }
0x2c: {  	s7 =	sld [smem:$0x3FB5]  }
0x2d: {  	s3 =	simm.s32 $0x108;
	s8 =	sld [smem:$0x3FB6]  }
0x2e: {  	s3 =	simm.s32 @!p0 $0x1082;
	s9 =	sld [smem:$0x3FB7]  }
0x2f: {  	lr =	sadd.s32 s0, s3;
	s0 =	sld [smem:$0x3FAE]  }
0x30: {  	s3 =	sld [smem:$0x3FB1]  }
0x31: {  	[smem:$0x3FBA] =	sst s10  }
0x32: {  	s10 =	sld [smem:$0x3FB8];
	_ =	sdelay $0x3  }
0x33: {  	p0 =	seq.s32 s10, $0x1;
	s10 =	sld [smem:$0x3FBA];
	_ =	sdelay $0x3  }
0x34: {  	[smem:$0x3FBA] =	sst s10  }
0x35: {  	s10 =	sld [smem:$0x3FB9];
	_ =	sdelay $0x3  }
0x36: {  	p1 =	seq.s32 s10, $0x1;
	s10 =	sld [smem:$0x3FBA];
	_ =	sdelay $0x3  }
0x37: {  	[smem:$0x3FBA] =	sst s10  }
0x38: {  	s10 =	sld [smem:$0x3FBB]  }
0x39: {  	_ = 	snop;
	(pc) =	sbr.ind lr, $3  }
0x3a: {  	_ = 	snop  }
0x3b: {  	_ = 	snop  }
0x3c: {  	p2 =	seq.s32 s10, $0x1;
	s10 =	sld [smem:$0x3FBA]  }
0x3d: {  	_ =	shalt  }
0x3e: {  	_ =	shalt  }
0x3f: {  	_ =	shalt  }
0x40: {  	_ =	shalt  }
0x41: {  	_ =	shalt  }
0x42: {  	_ =	shalt  }
0x43: {  	_ =	shalt  }
0x44: {  	_ =	shalt  }
0x45: {  	_ =	shalt  }
0x46: {  	_ =	shalt  }
0x47: {  	_ =	shalt  }
0x48: {  	_ =	shalt  }
0x49: {  	_ =	shalt  }
0x4a: {  	_ =	shalt  }
0x4b: {  	_ =	shalt  }
0x4c: {  	_ =	shalt  }
0x4d: {  	_ =	shalt  }
0x4e: {  	_ =	shalt  }
0x4f: {  	_ =	shalt  }
0x50: {  	_ =	shalt  }
0x51: {  	_ =	shalt  }
0x52: {  	_ =	shalt  }
0x53: {  	_ =	shalt  }
0x54: {  	_ =	shalt  }
0x55: {  	_ =	shalt  }
0x56: {  	_ =	shalt  }
0x57: {  	_ =	shalt  }
0x58: {  	_ =	shalt  }
0x59: {  	_ =	shalt  }
0x5a: {  	_ =	shalt  }
0x5b: {  	_ =	shalt  }
0x5c: {  	_ =	shalt  }
0x5d: {  	_ =	shalt  }
0x5e: {  	_ =	shalt  }
0x5f: {  	_ =	shalt  }
0x60: {  	_ =	shalt  }
0x61: {  	_ =	shalt  }
0x62: {  	_ =	shalt  }
0x63: {  	_ =	shalt  }
0x64: {  	_ =	shalt  }
0x65: {  	_ =	shalt  }
0x66: {  	_ =	shalt  }
0x67: {  	_ =	shalt  }
0x68: {  	_ =	shalt  }
0x69: {  	_ =	shalt  }
0x6a: {  	_ =	shalt  }
0x6b: {  	_ =	shalt  }
0x6c: {  	_ =	shalt  }
0x6d: {  	_ =	shalt  }
0x6e: {  	_ =	shalt  }
0x6f: {  	_ =	shalt  }
0x70: {  	_ =	shalt  }
0x71: {  	_ =	shalt  }
0x72: {  	_ =	shalt  }
0x73: {  	_ =	shalt  }
0x74: {  	_ =	shalt  }
0x75: {  	_ =	shalt  }
0x76: {  	_ =	shalt  }
0x77: {  	_ =	shalt  }
0x78: {  	_ =	shalt  }
0x79: {  	_ =	shalt  }
0x7a: {  	_ =	shalt  }
0x7b: {  	_ =	shalt  }
0x7c: {  	_ =	shalt  }
0x7d: {  	_ =	shalt  }
0x7e: {  	_ =	shalt  }
0x7f: {  	_ =	shalt  }
0x80: {  	_ =	shalt  }
0x81: {  	_ =	shalt  }
0x82: {  	_ =	shalt  }
0x83: {  	_ =	shalt  }
0x84: {  	_ =	shalt  }
0x85: {  	_ =	shalt  }
0x86: {  	_ =	shalt  }
0x87: {  	_ =	shalt  }
.Lfunc_end0:
.L_simem_size_0:
called_computation.1_lowered:
.L_overlay_start_0:
0x88: {  	s2 =	sld [smem:$0x3FD9]  }
0x89: {  	s3 =	sld [smem:$0x3FFE];
	_ =	sdelay $0x1  }
0x8a: {  	s1 =	srdreg.scid  }
0x8b: {  	s0 =	sand.u32 $0x1, s1  }
0x8c: {  	s17 =	sshll.u32 s0, $0xA;
	s2 =	sadd.s32 s3, s2  }
0x8d: {  	s2 =	sadd.s32 s2, s17  }
0x8e: {  	[smem:$0x3FC6] =	sst s2  }
0x8f: {  	_ = 	snop  }
0x90: {  	s2 =	sld [smem:$0x3FD0];
	(tm) =	ssettm $0x1  }
0x91: {  	s18 =	sld [smem:$0x3FFB];
	_ =	sdelay $0x3  }
0x92: {  	_ =	strace s18  }
0x93: {  	s3 =	sld [smem:$0x3FFC];
	_ =	sdelay $0x3  }
0x94: {  	_ =	strace s3  }
0x95: {  	s3 =	sld [smem:$0x3FFD];
	_ =	sdelay $0x3  }
0x96: {  	_ =	strace s3  }
0x97: {  	_ =	strace $0x8FFFFFFF  }
0x98: {  	s19 =	sld [smem:$0x3FDB];
	_ =	sdelay $0x1  }
0x99: {  	s4 =	simm.s32 $_scs_section_size  }
0x9a: {  	s5 =	simm.s32 $_size__tile_overlayer_lowered;
	s6 =	simm.s32 $_tile_overlayer_lowered  }
0x9b: {  	s22 =	simm.s32 $0x1BFF;
	s21 =	sshll.u32 s6, $0x1;
	s3 =	sadd.s32 s4, s19  }
0x9c: {  	s7 =	simm.s32 $0x0;
	s20 =	sshll.u32 s5, $0x1;
	s5 =	sadd.s32 s21, s3  }
0x9d: {  	[timem:s7], [sflag:s22] =	dma.local [hbm:s5], s20  }
0x9e: {  	_ =	swait.ge [sflag:s22], s20  }
0x9f: {  	s4 =	ssub.s32 $0x0, s20;
	[sflag:s22] =	ssyncset.done $0x0  }
0xa0: {  	[sflag:s22] =	ssyncadd.s32 s4;
	_ =	sdelay $0x1  }
0xa1: {  	s23 =	simm.s32 $0x1B8B  }
0xa2: {  	_ =	swait.ge [sflag:s23], $0x1  }
0xa3: {  	[sflag:s23] =	ssyncset.done $0x0  }
0xa4: {  	s25 =	simm.s32 $0x1B8E;
	s24 =	sld [smem:$0x3FFE];
	[sflag:s23] =	ssyncadd.s32 $0xFFFFFFFF  }
0xa5: {  	s26 =	simm.s32 $execute0_lowered;
	[smem:$0x3FD2] =	sst s25  }
0xa6: {  	s5 =	sshll.u32 s26, $0x1;
	_ =	strace $0x80000046;
	[dreg:$0x1] =	wrdreg $0xFFFFFFFF  }
0xa7: {  	s28 =	simm.s32 $_size_execute0_lowered;
	s3 =	sadd.s32 s3, s5;
	[dreg:$0x0] =	wrdreg $0x0  }
0xa8: {  	s5 =	sshll.u32 s28, $0x1;
	[dreg:$0x2] =	wrdreg s3  }
0xa9: {  	[dreg:$0x3] =	wrdreg s5  }
0xaa: {  	[dreg:$0x4] =	wrdreg $0xC0  }
0xab: {  	_ =	task [dreg:s7], $0x5FFFF  }
0xac: {  	[dreg:$0x1] =	wrdreg $0xFFFFFFFF  }
0xad: {  	[dreg:$0x0] =	wrdreg $0x60  }
0xae: {  	[dreg:$0x2] =	wrdreg s24  }
0xaf: {  	[dreg:$0x3] =	wrdreg s2  }
0xb0: {  	[dreg:$0x4] =	wrdreg $0x9  }
0xb1: {  	_ =	task.clear_ibuf [dreg:s7], $0x5FFFF;
	_ =	strace $0x90000046  }
0xb2: {  	s29 =	simm.s32 $0x9;
	_ =	strace $0x80000048  }
0xb3: {  	_ =	swait.ge [sflag:s29], $0x1  }
0xb4: {  	[sflag:s29] =	ssyncadd.s32 $0xFFFFFFFF  }
0xb5: {  	_ =	strace $0x90000048  }
0xb6: {  	_ =	sfence  }
0xb7: {  	s30 =	sld [smem:$0x0];
	_ =	sdelay $0x2  }
0xb8: {  	s31 =	sshll.u32 s1, $0xD;
	s1 =	sshrl.u32 s1, $0x2  }
0xb9: {  	s3 =	sand.u32 $0x4000, s31;
	s1 =	sadd.s32 s1, s30  }
0xba: {  	s0 =	sor.u32 s3, s0;
	s1 =	sshll.u32 s1, $0x11  }
0xbb: {  	s0 =	sor.u32 s1, s0  }
0xbc: {  	s0 =	sadd.s32 $0x8F2B, s0  }
0xbd: {  	[sflag:s0] =	ssyncadd.remote.s32 $0x1  }
0xbe: {  	_ =	sfence.sel $0xFFFF  }
0xbf: {  	[dreg:$0x0] =	wrdreg $0xFFFFFFFF;
	(pc) =	sbr.abs _section_cstart, $3  }
0xc0: {  	[dreg:$0x1] =	wrdreg $0xFFFFFFFF  }
0xc1: {  	_ =	task.clear_ibuf [dreg:s7], $0x2FFFF;
	_ =	strace $0x9FFFFFFF  }
0xc2: {  	(tm) =	ssettm $0x7FFFFFFF  }
0xc3: {  	_ =	shalt  }
tec
execute0_lowered:
.L_overlay_start_1:
0x0: {  	(tag) =	ssettag $0x1  }
0x1: {  	s0 =	srdreg.scid  }
0x2: {  	s4 =	stileid.u32;
	s1 =	rddreg [dreg:$0x0];
	s3 =	simm.s32 $0x0  }
0x3: {  	s16 =	simm.s32 $0x80;
	s22 =	simm.s32 $0x9400;
	s24 =	simm.s32 $0xB400  }
0x4: {  	s29 =	simm.s32 $0xF400;
	s31 =	simm.s32 $0x11400;
	s19 =	simm.s32 $0x4  }
0x5: {  	s21 =	simm.s32 $0x5;
	s23 =	simm.s32 $0x6;
	s25 =	simm.s32 $0x7  }
0x6: {  	s28 =	simm.s32 $0x8;
	s15 =	simm.s32 $0x10;
	s5 =	smul.u32 $0x1A0000, s4  }
0x7: {  	s0 =	sand.u32 $0x1, s0;
	s2 =	sshll.u32 s4, $0x1;
	s6 =	smul.u32 $0x6800, s4  }
0x8: {  	[smem:$0x7FF] =	sst s3;
	s4 =	sadd.s32 $0xF42E00, s1;
	s8 =	smul.u32 $0x3400, s0  }
0x9: {  	s2 =	sor.u32 s0, s2;
	s7 =	ssub.s32 $0x2, s0;
	s0 =	smul.u32 $0xD0000, s0  }
0xa: {  	_ =	strace $0x80000047;
	s2 =	smul.u32 $0x3400, s2;
	s9 =	sshrl.u32 s7, $0x1  }
0xb: {  	s26 =	ssub.s32 s7, s9;
	s6 =	sadd.s32 s8, s6;
	s0 =	sadd.s32 s0, s5  }
0xc: {  	s2 =	sshrl.u32 s2, $0x3;
	s30 =	sshll.u32 s6, $0x3;
	s7 =	sshrl.u32 s0, $0x3  }
0xd: {  	s0 =	simm.s32 $0x2;
	s6 =	simm.s32 $0x0;
	s2 =	sadd.s32 s2, s1  }
.Ltmp0:
0xe: {  	s1 =	smax.u32 s26, $0x1;
	s8 =	sor.u32 $0x1C00, s30;
	(pc) =	sbr.rel .LBB2_1-.Ltmp0, $4  }
0xf: {  	s9 =	sor.u32 $0x1800, s30;
	s10 =	sor.u32 $0x1400, s30;
	s11 =	sor.u32 $0x1000, s30  }
0x10: {  	s12 =	sor.u32 $0xC00, s30;
	s13 =	sor.u32 $0x800, s30;
	s14 =	sor.u32 $0x400, s30  }
0x11: {  	s26 =	simm.s32 $0xD400;
	s2 =	sadd.s32 $0xA00, s2;
	[dreg:$0x4] =	wrdreg s1  }
0x12: {  	s1 =	simm.s32 $0x1;
	[dreg:$0x3] =	wrdreg s2;
	s2 =	simm.s32 $0x3  }
.LBB2_4:
0x13: {  	s5 =	simm.s32 $0x9  }
0x14: {  	_ =	swait.ge [sflag:s5], $0x2000  }
0x15: {  	[sflag:s5] =	ssyncset.done $0x0  }
0x16: {  	s20 =	simm.s32 $0xA;
	[sflag:s5] =	ssyncadd.s32 $0xFFFFE000  }
0x17: {  	_ =	swait.ge [sflag:s20], $0x2000  }
0x18: {  	[sflag:s20] =	ssyncset.done $0x0  }
0x19: {  	s30 =	simm.s32 $0xB;
	[sflag:s20] =	ssyncadd.s32 $0xFFFFE000  }
0x1a: {  	_ =	swait.ge [sflag:s30], $0x2000  }
0x1b: {  	[sflag:s30] =	ssyncset.done $0x0  }
0x1c: {  	s6 =	simm.s32 $0xC;
	[sflag:s30] =	ssyncadd.s32 $0xFFFFE000  }
0x1d: {  	_ =	swait.ge [sflag:s6], $0x2000  }
0x1e: {  	[sflag:s6] =	ssyncset.done $0x0  }
0x1f: {  	s17 =	simm.s32 $0xD;
	[sflag:s6] =	ssyncadd.s32 $0xFFFFE000  }
0x20: {  	_ =	swait.ge [sflag:s17], $0x2000  }
0x21: {  	[sflag:s17] =	ssyncset.done $0x0  }
0x22: {  	s18 =	simm.s32 $0xE;
	[sflag:s17] =	ssyncadd.s32 $0xFFFFE000  }
0x23: {  	_ =	swait.ge [sflag:s18], $0x2000  }
0x24: {  	[sflag:s18] =	ssyncset.done $0x0  }
0x25: {  	s20 =	simm.s32 $0xF;
	[sflag:s18] =	ssyncadd.s32 $0xFFFFE000  }
0x26: {  	_ =	swait.ge [sflag:s20], $0x2000  }
0x27: {  	[sflag:s20] =	ssyncset.done $0x0  }
0x28: {  	[sflag:s20] =	ssyncadd.s32 $0xFFFFE000  }
0x29: {  	_ =	swait.ge [sflag:s15], $0x2000  }
0x2a: {  	s6 =	rddreg [dreg:$0x5]  }
0x2b: {  	s30 =	rddreg [dreg:$0x4];
	s6 =	sadd.s32 $0x1, s6  }
0x2c: {  	p0 =	sne.s32 s6, s30  }
.Ltmp1:
0x2d: {  	_ = 	snop;
	(pc) =	sbr.rel @!p0 .LBB2_5-.Ltmp1, $3  }
0x2e: {  	_ =	sdelay $0x1  }
0x2f: {  	[sflag:s15] =	ssyncset.done $0x0  }
0x30: {  	[sflag:s15] =	ssyncadd.s32 $0xFFFFE000  }
.LBB2_1:
0x31: {  	[dreg:$0x5] =	wrdreg s6  }
0x32: {  	s5 =	rddreg [dreg:$0x3];
	s6 =	simm.s32 $0x11  }
0x33: {  	[tilespmem:s3], [sflag:$0x11] =	stream.linear.gather [hbm4b:s5+s3], $0x3400, $0x38;
	[tilespmem:$0x13400] =	vst v63  }
0x34: {  	_ =	swait.ge [sflag:s6], $0x3400  }
0x35: {  	[sflag:s6] =	ssyncset.done $0x0  }
0x36: {  	s17 =	simm.s32 $0x3400;
	[sflag:s6] =	ssyncadd.s32 $0xFFFFCC00  }
0x37: {  	[tilespmem:s17], [sflag:$0x1] =	stream.indirect.gather [hbm4b:s4+s16], $0x40, s3, s16, $0xb8;
	[tilespmem:$0x13400] =	vst v63  }
0x38: {  	s18 =	simm.s32 $0x5400  }
0x39: {  	[tilespmem:s18], [sflag:$0x2] =	stream.indirect.gather [hbm4b:s4+s16], $0x40, s16, s16, $0xb8;
	[tilespmem:$0x13400] =	vst v63  }
0x3a: {  	s20 =	simm.s32 $0x100;
	s30 =	simm.s32 $0x7400  }
0x3b: {  	[tilespmem:s30], [sflag:$0x3] =	stream.indirect.gather [hbm4b:s4+s16], $0x40, s20, s16, $0xb8;
	[tilespmem:$0x13400] =	vst v63  }
0x3c: {  	s6 =	simm.s32 $0x180  }
0x3d: {  	[tilespmem:s22], [sflag:$0x4] =	stream.indirect.gather [hbm4b:s4+s16], $0x40, s6, s16, $0xb8;
	[tilespmem:$0x13400] =	vst v63  }
0x3e: {  	s17 =	simm.s32 $0x200  }
0x3f: {  	[tilespmem:s24], [sflag:$0x5] =	stream.indirect.gather [hbm4b:s4+s16], $0x40, s17, s16, $0xb8;
	[tilespmem:$0x13400] =	vst v63  }
0x40: {  	s18 =	simm.s32 $0x280  }
0x41: {  	[tilespmem:s26], [sflag:$0x6] =	stream.indirect.gather [hbm4b:s4+s16], $0x40, s18, s16, $0xb8;
	[tilespmem:$0x13400] =	vst v63  }
0x42: {  	s20 =	simm.s32 $0x300  }
0x43: {  	[tilespmem:s29], [sflag:$0x7] =	stream.indirect.gather [hbm4b:s4+s16], $0x40, s20, s16, $0xb8;
	[tilespmem:$0x13400] =	vst v63  }
0x44: {  	s5 =	rddreg [dreg:$0x1];
	s30 =	simm.s32 $0x380;
	s6 =	simm.s32 $0x0  }
0x45: {  	[tilespmem:s31], [sflag:$0x8] =	stream.indirect.gather [hbm4b:s4+s16], $0x40, s30, s16, $0xb8;
	[tilespmem:$0x13400] =	vst v63  }
.LBB2_2:
0x46: {  	_ =	swait.ge [sflag:s1], $0x2000  }
0x47: {  	s17 =	sadd.s32 s5, s7;
	[sflag:s1] =	ssyncset.done $0x0  }
0x48: {  	s18 =	simm.s32 $0x3400;
	p0 =	seq.s32 s6, $0xC000;
	[sflag:s1] =	ssyncadd.s32 $0xFFFFE000  }
0x49: {  	[hbm4b:s17+s3] =	stream.linear.scatter [tilespmem:s18], [sflag:$0x9], $0x2000, $0x38;
	[tilespmem:$0x13400] =	vst v63  }
0x4a: {  	s17 =	simm.s32 @!p0 $0x9  }
0x4b: {  	_ =	swait.ge @!p0 [sflag:s17], $0x2000  }
0x4c: {  	s30 =	sshra.s32 @!p0 s6, $0x2;
	s20 =	simm.s32 @!p0 $0x3400;
	[sflag:s17] =	ssyncset.done @!p0 $0x0  }
0x4d: {  	s18 =	sadd.s32 @!p0 $0x400, s30;
	[sflag:s17] =	ssyncadd.s32 @!p0 $0xFFFFE000;
	s17 =	simm.s32 @!p0 $0x80  }
0x4e: {  	[tilespmem:s20], [sflag:$0x1] =	stream.indirect.gather @!p0 [hbm4b:s4+s17], $0x40, s18, s17, $0xb8;
	[tilespmem:$0x13400] =	vst v63  }
0x4f: {  	_ =	swait.ge [sflag:s0], $0x2000  }
0x50: {  	[sflag:s0] =	ssyncset.done $0x0  }
0x51: {  	s18 =	sadd.s32 s5, s14;
	s20 =	simm.s32 $0x5400;
	[sflag:s0] =	ssyncadd.s32 $0xFFFFE000  }
0x52: {  	[hbm4b:s18+s3] =	stream.linear.scatter [tilespmem:s20], [sflag:$0xA], $0x2000, $0x38;
	[tilespmem:$0x13400] =	vst v63  }
0x53: {  	s18 =	simm.s32 @!p0 $0xA  }
0x54: {  	_ =	swait.ge @!p0 [sflag:s18], $0x2000  }
0x55: {  	[sflag:s18] =	ssyncset.done @!p0 $0x0  }
0x56: {  	s20 =	simm.s32 @!p0 $0x5400;
	[sflag:s18] =	ssyncadd.s32 @!p0 $0xFFFFE000;
	s18 =	sadd.s32 @!p0 $0x480, s30  }
0x57: {  	[tilespmem:s20], [sflag:$0x2] =	stream.indirect.gather @!p0 [hbm4b:s4+s17], $0x40, s18, s17, $0xb8;
	[tilespmem:$0x13400] =	vst v63  }
0x58: {  	_ =	swait.ge [sflag:s2], $0x2000  }
0x59: {  	[sflag:s2] =	ssyncset.done $0x0  }
0x5a: {  	s18 =	sadd.s32 s5, s13;
	s20 =	simm.s32 $0x7400;
	[sflag:s2] =	ssyncadd.s32 $0xFFFFE000  }
0x5b: {  	[hbm4b:s18+s3] =	stream.linear.scatter [tilespmem:s20], [sflag:$0xB], $0x2000, $0x38;
	[tilespmem:$0x13400] =	vst v63  }
0x5c: {  	s18 =	simm.s32 @!p0 $0xB  }
0x5d: {  	_ =	swait.ge @!p0 [sflag:s18], $0x2000  }
0x5e: {  	[sflag:s18] =	ssyncset.done @!p0 $0x0  }
0x5f: {  	s20 =	simm.s32 @!p0 $0x7400;
	[sflag:s18] =	ssyncadd.s32 @!p0 $0xFFFFE000;
	s18 =	sadd.s32 @!p0 $0x500, s30  }
0x60: {  	[tilespmem:s20], [sflag:$0x3] =	stream.indirect.gather @!p0 [hbm4b:s4+s17], $0x40, s18, s17, $0xb8;
	[tilespmem:$0x13400] =	vst v63  }
0x61: {  	_ =	swait.ge [sflag:s19], $0x2000  }
0x62: {  	[sflag:s19] =	ssyncset.done $0x0  }
0x63: {  	s20 =	sadd.s32 s5, s12;
	s18 =	simm.s32 @!p0 $0xC;
	[sflag:s19] =	ssyncadd.s32 $0xFFFFE000  }
0x64: {  	[hbm4b:s20+s3] =	stream.linear.scatter [tilespmem:s22], [sflag:$0xC], $0x2000, $0x38;
	[tilespmem:$0x13400] =	vst v63  }
0x65: {  	_ =	swait.ge @!p0 [sflag:s18], $0x2000  }
0x66: {  	[sflag:s18] =	ssyncset.done @!p0 $0x0  }
0x67: {  	s20 =	simm.s32 @!p0 $0x9400;
	[sflag:s18] =	ssyncadd.s32 @!p0 $0xFFFFE000;
	s18 =	sadd.s32 @!p0 $0x580, s30  }
0x68: {  	[tilespmem:s20], [sflag:$0x4] =	stream.indirect.gather @!p0 [hbm4b:s4+s17], $0x40, s18, s17, $0xb8;
	[tilespmem:$0x13400] =	vst v63  }
0x69: {  	_ =	swait.ge [sflag:s21], $0x2000  }
0x6a: {  	[sflag:s21] =	ssyncset.done $0x0  }
0x6b: {  	s20 =	sadd.s32 s5, s11;
	s18 =	simm.s32 @!p0 $0xD;
	[sflag:s21] =	ssyncadd.s32 $0xFFFFE000  }
0x6c: {  	[hbm4b:s20+s3] =	stream.linear.scatter [tilespmem:s24], [sflag:$0xD], $0x2000, $0x38;
	[tilespmem:$0x13400] =	vst v63  }
0x6d: {  	_ =	swait.ge @!p0 [sflag:s18], $0x2000  }
0x6e: {  	[sflag:s18] =	ssyncset.done @!p0 $0x0  }
0x6f: {  	s20 =	simm.s32 @!p0 $0xB400;
	[sflag:s18] =	ssyncadd.s32 @!p0 $0xFFFFE000;
	s18 =	sadd.s32 @!p0 $0x600, s30  }
0x70: {  	[tilespmem:s20], [sflag:$0x5] =	stream.indirect.gather @!p0 [hbm4b:s4+s17], $0x40, s18, s17, $0xb8;
	[tilespmem:$0x13400] =	vst v63  }
0x71: {  	_ =	swait.ge [sflag:s23], $0x2000  }
0x72: {  	[sflag:s23] =	ssyncset.done $0x0  }
0x73: {  	s20 =	sadd.s32 s5, s10;
	s18 =	simm.s32 @!p0 $0xE;
	[sflag:s23] =	ssyncadd.s32 $0xFFFFE000  }
0x74: {  	[hbm4b:s20+s3] =	stream.linear.scatter [tilespmem:s26], [sflag:$0xE], $0x2000, $0x38;
	[tilespmem:$0x13400] =	vst v63  }
0x75: {  	_ =	swait.ge @!p0 [sflag:s18], $0x2000  }
0x76: {  	[sflag:s18] =	ssyncset.done @!p0 $0x0  }
0x77: {  	s20 =	simm.s32 @!p0 $0xD400;
	[sflag:s18] =	ssyncadd.s32 @!p0 $0xFFFFE000;
	s18 =	sadd.s32 @!p0 $0x680, s30  }
0x78: {  	[tilespmem:s20], [sflag:$0x6] =	stream.indirect.gather @!p0 [hbm4b:s4+s17], $0x40, s18, s17, $0xb8;
	[tilespmem:$0x13400] =	vst v63  }
0x79: {  	_ =	swait.ge [sflag:s25], $0x2000  }
0x7a: {  	[sflag:s25] =	ssyncset.done $0x0  }
0x7b: {  	s20 =	sadd.s32 s5, s9;
	s18 =	simm.s32 @!p0 $0xF;
	[sflag:s25] =	ssyncadd.s32 $0xFFFFE000  }
0x7c: {  	[hbm4b:s20+s3] =	stream.linear.scatter [tilespmem:s29], [sflag:$0xF], $0x2000, $0x38;
	[tilespmem:$0x13400] =	vst v63  }
0x7d: {  	_ =	swait.ge @!p0 [sflag:s18], $0x2000  }
0x7e: {  	[sflag:s18] =	ssyncset.done @!p0 $0x0  }
0x7f: {  	s20 =	simm.s32 @!p0 $0xF400;
	[sflag:s18] =	ssyncadd.s32 @!p0 $0xFFFFE000;
	s18 =	sadd.s32 @!p0 $0x700, s30  }
0x80: {  	[tilespmem:s20], [sflag:$0x7] =	stream.indirect.gather @!p0 [hbm4b:s4+s17], $0x40, s18, s17, $0xb8;
	[tilespmem:$0x13400] =	vst v63  }
.Ltmp2:
0x81: {  	_ = 	snop;
	(pc) =	sbr.rel @p0 .LBB2_4-.Ltmp2, $4  }
0x82: {  	_ =	swait.ge [sflag:s28], $0x2000  }
0x83: {  	[sflag:s28] =	ssyncset.done $0x0  }
0x84: {  	s30 =	sadd.s32 s5, s8;
	[sflag:s28] =	ssyncadd.s32 $0xFFFFE000  }
0x85: {  	[hbm4b:s30+s3] =	stream.linear.scatter [tilespmem:s31], [sflag:$0x10], $0x2000, $0x38;
	[tilespmem:$0x13400] =	vst v63  }
.Ltmp3:
0x86: {  	(pc) =	sbr.rel .LBB2_2-.Ltmp3, $4  }
0x87: {  	_ =	swait.ge [sflag:s15], $0x2000  }
0x88: {  	s17 =	sshra.s32 s6, $0x2;
	s6 =	sadd.s32 $0x1000, s6;
	[sflag:s15] =	ssyncset.done $0x0  }
0x89: {  	s5 =	sadd.s32 $0x2000, s5;
	s17 =	sadd.s32 $0x780, s17;
	[sflag:s15] =	ssyncadd.s32 $0xFFFFE000  }
0x8a: {  	[tilespmem:s31], [sflag:$0x8] =	stream.indirect.gather [hbm4b:s4+s16], $0x40, s17, s16, $0xb8;
	[tilespmem:$0x13400] =	vst v63  }
.LBB2_5:
0x8b: {  	_ =	sfence.sel $0x180000  }
0x8c: {  	[bflag:$0x0] =	sbarrier.arrive $0xFFFF  }
0x8d: {  	_ =	strace $0x90000047  }
0x8e: {  	s0 =	stileid.u32;
	[bflag:$0x2] =	sbarrier.arrive $0xFFFF  }
0x8f: {  	p0 =	sne.s32 s0, $0x0;
	s0 =	rddreg [dreg:$0x2]  }
0x90: {  	s0 =	sadd.s32 @!p0 $0x100000, s0  }
0x91: {  	[sflag:s0] =	ssyncadd.tile.s32 @!p0 $0x1;
	_ =	shalt  }
.Lfunc_end2:
_tile_overlayer_lowered:
.L_overlay_start_2:
0x92: {  	(tag) =	ssettag $0x2  }
0x93: {  	s0 =	rddreg [dreg:$0x0];
	s2 =	stileid.u32  }
0x94: {  	s1 =	rddreg [dreg:$0x1];
	p0 =	sne.s32 s2, $0x0  }
0x95: {  	s3 =	rddreg [dreg:$0x2];
	[bflag:$0x3] =	sbarrier.arrive $0xFFFF;
	s2 =	simm.s32 @!p0 $0x1C12  }
0x96: {  	[timem:s3], [sflag:s2] =	dma.local @!p0 [hbm:s0], s1  }
0x97: {  	s0 =	simm.s32 @!p0 $0x12  }
0x98: {  	_ =	swait.ge @!p0 [sflag:s0], s1  }
0x99: {  	s1 =	ssub.s32 @!p0 $0x0, s1;
	[sflag:s0] =	ssyncset.done @!p0 $0x0  }
0x9a: {  	[sflag:s0] =	ssyncadd.s32 @!p0 s1  }
0x9b: {  	[bflag:$0x3] =	sbarrier.arrive $0xFFFF  }
0x9c: {  	_ =	shalt  }

// kernel: sparse-core-data-format-call.cloned.1.call-start
scs
called_computation_lowered:
.L_overlay_start_0:
0x0: {  	s2 =	sld [smem:$0x3FD9]  }
0x1: {  	s3 =	sld [smem:$0x3FFE];
	_ =	sdelay $0x1  }
0x2: {  	s1 =	srdreg.scid  }
0x3: {  	s0 =	sand.u32 $0x1, s1  }
0x4: {  	s18 =	sshll.u32 s0, $0xA;
	s2 =	sadd.s32 s3, s2  }
0x5: {  	s2 =	sadd.s32 s2, s18  }
0x6: {  	[smem:$0x3FC6] =	sst s2  }
0x7: {  	_ = 	snop  }
0x8: {  	s2 =	sld [smem:$0x3FD0];
	(tm) =	ssettm $0x1  }
0x9: {  	s19 =	sld [smem:$0x3FFB];
	_ =	sdelay $0x3  }
0xa: {  	_ =	strace s19  }
0xb: {  	s3 =	sld [smem:$0x3FFC];
	_ =	sdelay $0x3  }
0xc: {  	_ =	strace s3  }
0xd: {  	s3 =	sld [smem:$0x3FFD];
	_ =	sdelay $0x3  }
0xe: {  	_ =	strace s3  }
0xf: {  	_ =	strace $0x8FFFFFFF  }
0x10: {  	s20 =	sld [smem:$0x3FDB];
	_ =	sdelay $0x1  }
0x11: {  	s4 =	simm.s32 $_scs_section_size  }
0x12: {  	s5 =	simm.s32 $_size__tile_overlayer_lowered;
	s6 =	simm.s32 $_tile_overlayer_lowered  }
0x13: {  	s23 =	simm.s32 $0x1BFF;
	s22 =	sshll.u32 s6, $0x1;
	s3 =	sadd.s32 s4, s20  }
0x14: {  	s7 =	simm.s32 $0x0;
	s21 =	sshll.u32 s5, $0x1;
	s5 =	sadd.s32 s22, s3  }
0x15: {  	[timem:s7], [sflag:s23] =	dma.local [hbm:s5], s21  }
0x16: {  	_ =	swait.ge [sflag:s23], s21  }
0x17: {  	s4 =	ssub.s32 $0x0, s21;
	[sflag:s23] =	ssyncset.done $0x0  }
0x18: {  	[sflag:s23] =	ssyncadd.s32 s4;
	_ =	sdelay $0x1  }
0x19: {  	s24 =	simm.s32 $0x1B8B  }
0x1a: {  	_ =	swait.ge [sflag:s24], $0x1  }
0x1b: {  	[sflag:s24] =	ssyncset.done $0x0  }
0x1c: {  	s26 =	simm.s32 $0x1B8E;
	s25 =	sld [smem:$0x3FFE];
	[sflag:s24] =	ssyncadd.s32 $0xFFFFFFFF  }
0x1d: {  	s27 =	simm.s32 $execute0_lowered;
	[smem:$0x3FD2] =	sst s26  }
0x1e: {  	s5 =	sshll.u32 s27, $0x1;
	_ =	strace $0x80000049;
	[dreg:$0x1] =	wrdreg $0xFFFFFFFF  }
0x1f: {  	s28 =	simm.s32 $_size_execute0_lowered;
	s3 =	sadd.s32 s3, s5;
	[dreg:$0x0] =	wrdreg $0x0  }
0x20: {  	s5 =	sshll.u32 s28, $0x1;
	[dreg:$0x2] =	wrdreg s3  }
0x21: {  	[dreg:$0x3] =	wrdreg s5  }
0x22: {  	[dreg:$0x4] =	wrdreg $0xC0  }
0x23: {  	_ =	task [dreg:s7], $0x5FFFF  }
0x24: {  	[dreg:$0x1] =	wrdreg $0xFFFFFFFF  }
0x25: {  	[dreg:$0x0] =	wrdreg $0x60  }
0x26: {  	[dreg:$0x2] =	wrdreg s25  }
0x27: {  	[dreg:$0x3] =	wrdreg s2  }
0x28: {  	[dreg:$0x4] =	wrdreg $0x9  }
0x29: {  	_ =	task.clear_ibuf [dreg:s7], $0x5FFFF;
	_ =	strace $0x90000049  }
0x2a: {  	s29 =	simm.s32 $0x9;
	_ =	strace $0x8000004B  }
0x2b: {  	_ =	swait.ge [sflag:s29], $0x1  }
0x2c: {  	[sflag:s29] =	ssyncadd.s32 $0xFFFFFFFF  }
0x2d: {  	_ =	strace $0x9000004B  }
0x2e: {  	_ =	sfence  }
0x2f: {  	s30 =	sld [smem:$0x0];
	_ =	sdelay $0x2  }
0x30: {  	s31 =	sshll.u32 s1, $0xD;
	s1 =	sshrl.u32 s1, $0x2  }
0x31: {  	s3 =	sand.u32 $0x4000, s31;
	s1 =	sadd.s32 s1, s30  }
0x32: {  	s0 =	sor.u32 s3, s0;
	s1 =	sshll.u32 s1, $0x11  }
0x33: {  	s0 =	sor.u32 s1, s0  }
0x34: {  	s0 =	sadd.s32 $0x8F2B, s0  }
0x35: {  	[sflag:s0] =	ssyncadd.remote.s32 $0x1  }
0x36: {  	_ =	sfence.sel $0xFFFF  }
0x37: {  	[dreg:$0x0] =	wrdreg $0xFFFFFFFF;
	(pc) =	sbr.abs _section_cstart, $3  }
0x38: {  	[dreg:$0x1] =	wrdreg $0xFFFFFFFF  }
0x39: {  	_ =	task.clear_ibuf [dreg:s7], $0x2FFFF;
	_ =	strace $0x9FFFFFFF  }
0x3a: {  	(tm) =	ssettm $0x7FFFFFFF  }
0x3b: {  	_ =	shalt  }
tec
execute0_lowered:
.L_overlay_start_1:
0x0: {  	(tag) =	ssettag $0x1  }
0x1: {  	s0 =	srdreg.scid  }
0x2: {  	s1 =	sshll.u32 s0, $0x4  }
0x3: {  	s0 =	stileid.u32;
	s1 =	sand.u32 $0x10, s1  }
0x4: {  	s1 =	sor.u32 s0, s1  }
0x5: {  	s6 =	rddreg [dreg:$0x0];
	s4 =	simm.s32 $0x1;
	s2 =	sshll.u32 s1, $0x7  }
0x6: {  	s7 =	simm.s32 $0x2;
	s12 =	simm.s32 $0x0;
	s1 =	ssub.s32 $0x4000, s2  }
0x7: {  	s8 =	simm.s32 $0x20000;
	s13 =	simm.s32 $0x0;
	s3 =	sand.u32 $0xF80, s1  }
0x8: {  	s9 =	simm.s32 $0x0;
	s5 =	sshrl.u32 s1, $0xC;
	p0 =	sne.s32 s3, $0x0  }
.Ltmp0:
0x9: {  	s1 =	rddreg [dreg:$0x2];
	s4 =	simm.s32 @!p0 $0x0;
	(pc) =	sbr.rel .LBB1_1-.Ltmp0, $4  }
0xa: {  	s11 =	simm.s32 $0x0;
	s3 =	rddreg [dreg:$0x1];
	s5 =	sadd.s32 s4, s5  }
0xb: {  	_ =	strace $0x8000004A;
	s4 =	simm.s32 $0x1;
	s5 =	smul.u32 $0x1A, s5  }
0xc: {  	s6 =	sadd.s32 $0xA00, s6;
	s10 =	smov.u32 s2;
	[sflag:s4] =	ssyncpa.u1 $0x0  }
0xd: {  	p0 =	por $0x0, $0x0;
	[sflag:s7] =	ssyncpa.u1 $0x0;
	s7 =	sor.u32 $0x1, s5  }
.LBB1_4:
0xe: {  	s16 =	sshll.u32 s13, $0x3;
	s17 =	sand.u32 $0x78, s13  }
0xf: {  	s30 =	sand.u32 $0x1F800, s13;
	s12 =	sshll.u32 s12, $0x11;
	s16 =	sand.u32 $0x3C00, s16  }
0x10: {  	[tilespmem:s15+$0x810 ss:$0x81] =	vst.msk $0xffff, v2;
	s31 =	sand.u32 $0x7, s13;
	s16 =	sor.u32 s17, s16;
	s17 =	sadd.s32 s3, s30  }
0x11: {  	[tilespmem:s15+$0x1020 ss:$0x81] =	vst.msk $0xffff, v0;
	s13 =	sshll.u32 s31, $0x12;
	s12 =	sadd.s32 s12, s17;
	s16 =	sshrl.u32 s16, $0x3  }
0x12: {  	[tilespmem:s15+$0x0 ss:$0x81] =	vst.msk $0xffff, v1;
	s13 =	sor.u32 $0x400, s13;
	s12 =	sadd.s32 s16, s12  }
0x13: {  	[hbm4b:s12+s13] =	stream.strided.scatter [tilespmem:s14], [sflag:$0x2], $0x2000, s8, s13, $0x20;
	[tilespmem:$0x8080] =	vst v63  }
.LBB1_5:
0x14: {  	s14 =	sadd.s32 $0x1, s9  }
0x15: {  	s12 =	sadd.s32 $0x1000, s10;
	s16 =	smov.u32 s10;
	p2 =	sgt.s32 s14, $0x19  }
0x16: {  	s16 =	smov.u32 @p2 s12  }
0x17: {  	s14 =	simm.s32 @p2 $0x0;
	p2 =	sgt.s32 s16, $0x3FFF  }
0x18: {  	s16 =	smov.u32 @p2 s2;
	p2 =	sne.s32 s11, s7  }
.Ltmp1:
0x19: {  	p1 =	slt.u32 s11, $0x2;
	(pc) =	sbr.rel @!p2 .LBB1_6-.Ltmp1, $4  }
0x1a: {  	s15 =	simm.s32 @!p1 $0x2  }
0x1b: {  	s13 =	smov.u32 s10;
	p0 =	por !p0, !p0;
	_ =	swait.ge @!p1 [sflag:s15], $0x2000  }
0x1c: {  	s12 =	smov.u32 s9;
	[sflag:s15] =	ssyncset.done @!p1 $0x0;
	s9 =	smov.u32 s14  }
0x1d: {  	s11 =	sadd.s32 $0x1, s11;
	[sflag:s15] =	ssyncadd.s32 @!p1 $0xFFFFE000;
	s10 =	smov.u32 s16  }
.LBB1_1:
0x1e: {  	p1 =	sge.u32 s11, s5  }
0x1f: {  	s31 =	sadd.s32 $0xFFFFFFFF, s11;
	s14 =	sxor.u32 @!p1 $0xFFFFFFFF, s11  }
0x20: {  	s15 =	sshll.u32 @!p1 s10, $0x9;
	s16 =	sshll.u32 @!p1 s9, $0x4;
	s17 =	simm.s32 @!p1 $0x1000  }
0x21: {  	s14 =	sshll.u32 @!p1 s14, $0xD;
	s16 =	sand.u32 @!p1 $0x1F0, s16;
	s15 =	sadd.s32 @!p1 s6, s15  }
0x22: {  	s14 =	sand.u32 @!p1 $0x2000, s14;
	s15 =	sadd.s32 @!p1 s16, s15;
	s16 =	simm.s32 @!p1 $0x40  }
0x23: {  	[tilespmem:s14], [sflag:$0x1] =	stream.strided.gather @!p1 [hbm4b:s15+s16], $0x2000, s17, s16, $0x38;
	[tilespmem:$0x8080] =	vst v63  }
0x24: {  	p1 =	sge.u32 s31, s5  }
.Ltmp2:
0x25: {  	_ = 	snop;
	(pc) =	sbr.rel @p1 .LBB1_5-.Ltmp2, $1  }
0x26: {  	_ =	sdelay $0x3  }
0x27: {  	s14 =	simm.s32 $0x1  }
0x28: {  	_ =	swait.ge [sflag:s4], $0x2000;
	s14 =	simm.s32 @!p0 $0x0  }
0x29: {  	[sflag:s4] =	ssyncset.done $0x0;
	s15 =	sshll.u32 s14, $0xD  }
0x2a: {  	[sflag:s4] =	ssyncadd.s32 $0xFFFFE000;
	s18 =	sor.u32 $0x20, s15  }
0x2b: {  	s14 =	smul.u32 $0x8100, s14;
	v3 =	vld [tilespmem:s18+$0x10]  }
0x2c: {  	s30 =	sand.u32 $0x1, s11;
	v2 =	vld [tilespmem:s18+$0xFFFFFFF0]  }
0x2d: {  	s15 =	smul.u32 $0x8100, s30;
	s14 =	sshrl.u32 s14, $0x2;
	v0 =	vld [tilespmem:s18+$0x0]  }
0x2e: {  	v1 =	vld [tilespmem:s18+$0xFFFFFFE0];
	s16 =	sor.u32 $0x4000, s14  }
0x2f: {  	s31 =	sshrl.u32 s15, $0x2;
	s15 =	sadd.s32 $0x0, s16  }
0x30: {  	s17 =	simm.s32 $0x4;
	s18 =	sadd.s32 $0x40, s18;
	s14 =	sor.u32 $0x4000, s31;
	[tilespmem:s15+$0x1830 ss:$0x81] =	vst.msk $0xffff, v3  }
.LBB1_3:
0x31: {  	v3 =	vld [tilespmem:s18+$0x10];
	p1 =	sne.s32 s17, $0x1FC;
	[tilespmem:s15+$0x810 ss:$0x81] =	vst.msk $0xffff, v2;
	s19 =	smov.u32 s17;
	s17 =	sadd.s32 $0x4, s17  }
.Ltmp3:
0x32: {  	v2 =	vld [tilespmem:s18+$0xFFFFFFF0];
	[tilespmem:s15+$0x1020 ss:$0x81] =	vst.msk $0xffff, v0;
	(pc) =	sbr.rel @p1 .LBB1_3-.Ltmp3, $4  }
0x33: {  	v0 =	vld [tilespmem:s18+$0x0];
	[tilespmem:s15+$0x0 ss:$0x81] =	vst.msk $0xffff, v1  }
0x34: {  	s15 =	sshra.s32 s19, $0x2;
	v1 =	vld [tilespmem:s18+$0xFFFFFFE0]  }
0x35: {  	s15 =	sadd.s32 s15, s16  }
0x36: {  	s18 =	sadd.s32 $0x40, s18;
	[tilespmem:s15+$0x1830 ss:$0x81] =	vst.msk $0xffff, v3  }
.Ltmp4:
0x37: {  	_ = 	snop;
	(pc) =	sbr.rel .LBB1_4-.Ltmp4, $1  }
0x38: {  	_ =	sdelay $0x3  }
.LBB1_6:
0x39: {  	_ =	sfence.sel $0x180000  }
0x3a: {  	s2 =	simm.s32 $0x1;
	[bflag:$0x0] =	sbarrier.arrive $0xFFFF  }
0x3b: {  	s31 =	simm.s32 $0x2;
	[sflag:s2] =	ssyncpa.u1 $0x1  }
0x3c: {  	[sflag:s31] =	ssyncpa.u1 $0x1  }
0x3d: {  	p0 =	sne.s32 s0, $0x0;
	_ =	strace $0x9000004A  }
0x3e: {  	s0 =	sadd.s32 @!p0 $0x100000, s1;
	[bflag:$0x2] =	sbarrier.arrive $0xFFFF  }
0x3f: {  	[sflag:s0] =	ssyncadd.tile.s32 @!p0 $0x1;
	_ =	shalt  }
.Lfunc_end1:
_tile_overlayer_lowered:
.L_overlay_start_2:
0x40: {  	(tag) =	ssettag $0x2  }
0x41: {  	s0 =	rddreg [dreg:$0x0];
	s2 =	stileid.u32  }
0x42: {  	s1 =	rddreg [dreg:$0x1];
	p0 =	sne.s32 s2, $0x0  }
0x43: {  	s3 =	rddreg [dreg:$0x2];
	[bflag:$0x3] =	sbarrier.arrive $0xFFFF;
	s2 =	simm.s32 @!p0 $0x1C01  }
0x44: {  	[timem:s3], [sflag:s2] =	dma.local @!p0 [hbm:s0], s1  }
0x45: {  	s0 =	simm.s32 @!p0 $0x1  }
0x46: {  	_ =	swait.ge @!p0 [sflag:s0], s1  }
0x47: {  	s1 =	ssub.s32 @!p0 $0x0, s1;
	[sflag:s0] =	ssyncset.done @!p0 $0x0  }
0x48: {  	[sflag:s0] =	ssyncadd.s32 @!p0 s1  }
0x49: {  	[bflag:$0x3] =	sbarrier.arrive $0xFFFF  }
0x4a: {  	_ =	shalt  }

</sc_bundles>
